<compile_context>
chip_gen: v7x
topology: tpu7x:2x2x1
jax: 0.10.2.dev20260603
libtpu: 0.0.44.dev20260713+nightly
codegen_flags: <defaults>
</compile_context>

<pallas_src>
import functools

import jax
import jax.numpy as jnp
from jax import lax
from jax.experimental import pallas as pl
from jax.experimental.pallas import tpu as pltpu
from jax.experimental.pallas import tpu_sc as plsc

_NC, _NS, _L = 2, 16, 16


def _sc_add(B, T, D):
    NW = _NC * _NS
    WT = (T // NW) * D
    W = WT // 2
    NB = 5
    DEPTH = 4
    mesh = plsc.VectorSubcoreMesh(core_axis_name="c", subcore_axis_name="s")

    @functools.partial(
        pl.kernel,
        out_type=jax.ShapeDtypeStruct((B * T * D,), jnp.float32),
        mesh=mesh,
        scratch_types=[
            pltpu.VMEM((WT,), jnp.float32),
            [pltpu.VMEM((W,), jnp.float32) for _ in range(NB)],
            pltpu.SemaphoreType.DMA,
            [pltpu.SemaphoreType.DMA for _ in range(NB)],
            [pltpu.SemaphoreType.DMA for _ in range(NB)],
        ],
    )
    def k(tok_hbm, tab_hbm, out_hbm, tab_v, rbs, stab, sins, souts):
        wid = lax.axis_index("s") * _NC + lax.axis_index("c")
        tbase = wid * WT
        K = 2 * B

        def off(kk):
            sl, b = divmod(kk, B)
            return b * (T * D) + tbase + sl * W

        tab_cp = pltpu.async_copy(tab_hbm.at[pl.ds(tbase, WT)], tab_v, stab)
        in_cp = [None] * K
        out_cp = [None] * K
        for kk in range(DEPTH):
            in_cp[kk] = pltpu.async_copy(
                tok_hbm.at[pl.ds(off(kk), W)], rbs[kk % NB], sins[kk % NB])
        tab_cp.wait()
        for kk in range(K):
            r = kk % NB
            in_cp[kk].wait()
            buf = rbs[r]
            soff = (kk // B) * W

            @plsc.parallel_loop(0, W // _L, unroll=8)
            def _(i, buf=buf, soff=soff):
                buf[pl.ds(i * _L, _L)] = (
                    buf[pl.ds(i * _L, _L)]
                    + tab_v[pl.ds(soff + i * _L, _L)])

            out_cp[kk] = pltpu.async_copy(
                buf, out_hbm.at[pl.ds(off(kk), W)], souts[r])
            nk = kk + DEPTH
            if nk < K:
                nr = nk % NB
                if nk - NB >= 0:
                    out_cp[nk - NB].wait()
                in_cp[nk] = pltpu.async_copy(
                    tok_hbm.at[pl.ds(off(nk), W)], rbs[nr], sins[nr])
        for kk in range(K - NB, K):
            if out_cp[kk] is not None:
                out_cp[kk].wait()

    return k


def kernel(encoded_tokens, pos_table):
    B, T, D = encoded_tokens.shape
    out = _sc_add(B, T, D)(
        encoded_tokens.reshape(-1), pos_table.reshape(-1))
    return out.reshape(B, T, D)

# --- scband reference (transcript-rebuilt; emitter-appended) ---
"""Pipeline reference for scband-positional-encoder-15298673508637 (READ-ONLY COPY).

The authoritative reference and input builder live on the scoring server;
editing this copy changes nothing except your own understanding.
"""

import jax, jax.numpy as jnp
import numpy as np

NUM_TOKENS = 8192
EMBED_DIM = 128
BATCH = 4

def setup_inputs(seed: int = 0) -> dict:
    key = jax.random.key(seed)
    k1, k2 = jax.random.split(key)
    encoded_tokens = jax.random.normal(k1, (BATCH, NUM_TOKENS, EMBED_DIM), dtype=jnp.float32)
    # learned positional embedding table, sized [num_tokens, embed_dim]
    pos_table = jax.random.normal(k2, (NUM_TOKENS, EMBED_DIM), dtype=jnp.float32) * 0.02
    return {"encoded_tokens": encoded_tokens, "pos_table": pos_table}

def reference(encoded_tokens, pos_table):
    positions = jnp.arange(NUM_TOKENS)
    # embedding lookup: table[positions] -> [num_tokens, embed_dim]
    encoded_positions = jnp.take(pos_table, positions, axis=0)
    # broadcast add over batch dim, same as Keras layer
    return encoded_tokens + encoded_positions

if __name__ == "__main__":
    import jax
    _d = setup_inputs()
    print(jax.jit(kernel)(*tuple(_d.values())))

</pallas_src>

<mosaic_0001>
#map = affine_map<(d0, d1) -> (0)>
module attributes {stable_mosaic.version = 14 : i64} {
  func.func @k(%arg0: i32, %arg1: i32, %arg2: memref<4194304xf32, #tpu.memory_space<hbm>>, %arg3: memref<1048576xf32, #tpu.memory_space<hbm>>, %arg4: memref<4194304xf32, #tpu.memory_space<hbm>>, %arg5: memref<32768xf32, #tpu.memory_space<vmem>>, %arg6: memref<16384xf32, #tpu.memory_space<vmem>>, %arg7: memref<16384xf32, #tpu.memory_space<vmem>>, %arg8: memref<16384xf32, #tpu.memory_space<vmem>>, %arg9: memref<16384xf32, #tpu.memory_space<vmem>>, %arg10: memref<16384xf32, #tpu.memory_space<vmem>>, %arg11: memref<!tpu.dma_semaphore, #tpu.memory_space<semaphore_mem>>, %arg12: memref<!tpu.dma_semaphore, #tpu.memory_space<semaphore_mem>>, %arg13: memref<!tpu.dma_semaphore, #tpu.memory_space<semaphore_mem>>, %arg14: memref<!tpu.dma_semaphore, #tpu.memory_space<semaphore_mem>>, %arg15: memref<!tpu.dma_semaphore, #tpu.memory_space<semaphore_mem>>, %arg16: memref<!tpu.dma_semaphore, #tpu.memory_space<semaphore_mem>>, %arg17: memref<!tpu.dma_semaphore, #tpu.memory_space<semaphore_mem>>, %arg18: memref<!tpu.dma_semaphore, #tpu.memory_space<semaphore_mem>>, %arg19: memref<!tpu.dma_semaphore, #tpu.memory_space<semaphore_mem>>, %arg20: memref<!tpu.dma_semaphore, #tpu.memory_space<semaphore_mem>>, %arg21: memref<!tpu.dma_semaphore, #tpu.memory_space<semaphore_mem>>) attributes {dimension_semantics = [#tpu.dimension_semantics<core_parallel>, #tpu.dimension_semantics<subcore_parallel>], iteration_bounds = array<i64: 2, 16>, scalar_prefetch = 0 : i64, scratch_operands = 17 : i64, tpu.core_type = #tpu.core_type<sc_vector_subcore>, window_params = [{transform_indices = #map}, {transform_indices = #map}, {transform_indices = #map}]} {
    %mul3A = arith.constant 2 : i32
    %mul3A_0 = arith.muli %arg1, %mul3A : i32
    %add3A = arith.addi %mul3A_0, %arg0 : i32
    %mul3A_1 = arith.constant 32768 : i32
    %mul3A_2 = arith.muli %add3A, %mul3A_1 : i32
    %dma_start3A = tpu.memref_slice %arg3[%mul3A_2] : memref<1048576xf32, #tpu.memory_space<hbm>> -> memref<32768xf32, #tpu.memory_space<hbm>>
    %dma_start3A_3 = tpu.memref_slice %arg3[%mul3A_2] : memref<1048576xf32, #tpu.memory_space<hbm>> -> memref<32768xf32, #tpu.memory_space<hbm>>
    tpu.enqueue_dma source(%dma_start3A_3 : memref<32768xf32, #tpu.memory_space<hbm>>) target(%arg5 : memref<32768xf32, #tpu.memory_space<vmem>>) target_semaphore(%arg11 : memref<!tpu.dma_semaphore, #tpu.memory_space<semaphore_mem>>)
    %add3A_4 = arith.constant 0 : i32
    %add3A_5 = arith.addi %add3A_4, %mul3A_2 : i32
    %add3A_6 = arith.constant 0 : i32
    %add3A_7 = arith.addi %add3A_5, %add3A_6 : i32
    %dma_start3A_8 = tpu.memref_slice %arg2[%add3A_7] : memref<4194304xf32, #tpu.memory_space<hbm>> -> memref<16384xf32, #tpu.memory_space<hbm>>
    %dma_start3A_9 = tpu.memref_slice %arg2[%add3A_7] : memref<4194304xf32, #tpu.memory_space<hbm>> -> memref<16384xf32, #tpu.memory_space<hbm>>
    tpu.enqueue_dma source(%dma_start3A_9 : memref<16384xf32, #tpu.memory_space<hbm>>) target(%arg6 : memref<16384xf32, #tpu.memory_space<vmem>>) target_semaphore(%arg12 : memref<!tpu.dma_semaphore, #tpu.memory_space<semaphore_mem>>)
    %add3A_10 = arith.constant 1048576 : i32
    %add3A_11 = arith.addi %add3A_10, %mul3A_2 : i32
    %add3A_12 = arith.constant 0 : i32
    %add3A_13 = arith.addi %add3A_11, %add3A_12 : i32
    %dma_start3A_14 = tpu.memref_slice %arg2[%add3A_13] : memref<4194304xf32, #tpu.memory_space<hbm>> -> memref<16384xf32, #tpu.memory_space<hbm>>
    %dma_start3A_15 = tpu.memref_slice %arg2[%add3A_13] : memref<4194304xf32, #tpu.memory_space<hbm>> -> memref<16384xf32, #tpu.memory_space<hbm>>
    tpu.enqueue_dma source(%dma_start3A_15 : memref<16384xf32, #tpu.memory_space<hbm>>) target(%arg7 : memref<16384xf32, #tpu.memory_space<vmem>>) target_semaphore(%arg13 : memref<!tpu.dma_semaphore, #tpu.memory_space<semaphore_mem>>)
    %add3A_16 = arith.constant 2097152 : i32
    %add3A_17 = arith.addi %add3A_16, %mul3A_2 : i32
    %add3A_18 = arith.constant 0 : i32
    %add3A_19 = arith.addi %add3A_17, %add3A_18 : i32
    %dma_start3A_20 = tpu.memref_slice %arg2[%add3A_19] : memref<4194304xf32, #tpu.memory_space<hbm>> -> memref<16384xf32, #tpu.memory_space<hbm>>
    %dma_start3A_21 = tpu.memref_slice %arg2[%add3A_19] : memref<4194304xf32, #tpu.memory_space<hbm>> -> memref<16384xf32, #tpu.memory_space<hbm>>
    tpu.enqueue_dma source(%dma_start3A_21 : memref<16384xf32, #tpu.memory_space<hbm>>) target(%arg8 : memref<16384xf32, #tpu.memory_space<vmem>>) target_semaphore(%arg14 : memref<!tpu.dma_semaphore, #tpu.memory_space<semaphore_mem>>)
    %add3A_22 = arith.constant 3145728 : i32
    %add3A_23 = arith.addi %add3A_22, %mul3A_2 : i32
    %add3A_24 = arith.constant 0 : i32
    %add3A_25 = arith.addi %add3A_23, %add3A_24 : i32
    %dma_start3A_26 = tpu.memref_slice %arg2[%add3A_25] : memref<4194304xf32, #tpu.memory_space<hbm>> -> memref<16384xf32, #tpu.memory_space<hbm>>
    %dma_start3A_27 = tpu.memref_slice %arg2[%add3A_25] : memref<4194304xf32, #tpu.memory_space<hbm>> -> memref<16384xf32, #tpu.memory_space<hbm>>
    tpu.enqueue_dma source(%dma_start3A_27 : memref<16384xf32, #tpu.memory_space<hbm>>) target(%arg9 : memref<16384xf32, #tpu.memory_space<vmem>>) target_semaphore(%arg15 : memref<!tpu.dma_semaphore, #tpu.memory_space<semaphore_mem>>)
    %dma_wait3A = tpu.memref_slice %arg3[%mul3A_2] : memref<1048576xf32, #tpu.memory_space<hbm>> -> memref<32768xf32, #tpu.memory_space<hbm>>
    %dma_wait3A_28 = tpu.memref_slice %arg3[%mul3A_2] : memref<1048576xf32, #tpu.memory_space<hbm>> -> memref<32768xf32, #tpu.memory_space<hbm>>
    tpu.wait_dma2 semaphore(%arg11 : memref<!tpu.dma_semaphore, #tpu.memory_space<semaphore_mem>>) src(%dma_wait3A_28 : memref<32768xf32, #tpu.memory_space<hbm>>) dst(%arg5 : memref<32768xf32, #tpu.memory_space<vmem>>)
    %dma_wait3A_29 = tpu.memref_slice %arg2[%add3A_7] : memref<4194304xf32, #tpu.memory_space<hbm>> -> memref<16384xf32, #tpu.memory_space<hbm>>
    %dma_wait3A_30 = tpu.memref_slice %arg2[%add3A_7] : memref<4194304xf32, #tpu.memory_space<hbm>> -> memref<16384xf32, #tpu.memory_space<hbm>>
    tpu.wait_dma2 semaphore(%arg12 : memref<!tpu.dma_semaphore, #tpu.memory_space<semaphore_mem>>) src(%dma_wait3A_30 : memref<16384xf32, #tpu.memory_space<hbm>>) dst(%arg6 : memref<16384xf32, #tpu.memory_space<vmem>>)
    %parallel_loop3A = arith.constant 0 : i32
    %parallel_loop3A_31 = arith.constant 1024 : i32
    %parallel_loop3A_32 = arith.constant 1 : i32
    scf.for %parallel_loop3A_156 = %parallel_loop3A to %parallel_loop3A_31 step %parallel_loop3A_32  : i32 {
      %parallel_loop3A_157 = arith.constant 16 : i32
      %parallel_loop3A_158 = arith.muli %parallel_loop3A_156, %parallel_loop3A_157 : i32
      %parallel_loop3A_159 = arith.index_cast %parallel_loop3A_158 : i32 to index
      %parallel_loop3A_160 = tpu.vector_load %arg6[%parallel_loop3A_159] {strides = array<i32>} : memref<16384xf32, #tpu.memory_space<vmem>>, vector<16xf32>,
      %parallel_loop3A_161 = vector.shape_cast %parallel_loop3A_160 : vector<16xf32> to vector<16xf32>
      %parallel_loop3A_162 = arith.constant 16 : i32
      %parallel_loop3A_163 = arith.muli %parallel_loop3A_156, %parallel_loop3A_162 : i32
      %parallel_loop3A_164 = arith.constant 0 : i32
      %parallel_loop3A_165 = arith.addi %parallel_loop3A_164, %parallel_loop3A_163 : i32
      %parallel_loop3A_166 = arith.index_cast %parallel_loop3A_165 : i32 to index
      %parallel_loop3A_167 = tpu.vector_load %arg5[%parallel_loop3A_166] {strides = array<i32>} : memref<32768xf32, #tpu.memory_space<vmem>>, vector<16xf32>,
      %parallel_loop3A_168 = vector.shape_cast %parallel_loop3A_167 : vector<16xf32> to vector<16xf32>
      %parallel_loop3A_169 = arith.addf %parallel_loop3A_161, %parallel_loop3A_168 : vector<16xf32>
      %parallel_loop3A_170 = arith.constant 16 : i32
      %parallel_loop3A_171 = arith.muli %parallel_loop3A_156, %parallel_loop3A_170 : i32
      %parallel_loop3A_172 = arith.index_cast %parallel_loop3A_171 : i32 to index
      %parallel_loop3A_173 = tpu.vector_load %arg6[%parallel_loop3A_172] {strides = array<i32>} : memref<16384xf32, #tpu.memory_space<vmem>>, vector<16xf32>,
      %parallel_loop3A_174 = vector.shape_cast %parallel_loop3A_173 : vector<16xf32> to vector<16xf32>
      %parallel_loop3A_175 = vector.shape_cast %parallel_loop3A_169 : vector<16xf32> to vector<16xf32>
      tpu.vector_store %arg6[%parallel_loop3A_172], %parallel_loop3A_175 {strides = array<i32>} : memref<16384xf32, #tpu.memory_space<vmem>>, vector<16xf32>,
    } {sc.loop_unroll_factor = 8 : i64, sc.parallel_access}
    %add3A_33 = arith.constant 0 : i32
    %add3A_34 = arith.addi %add3A_33, %mul3A_2 : i32
    %add3A_35 = arith.constant 0 : i32
    %add3A_36 = arith.addi %add3A_34, %add3A_35 : i32
    %dma_start3A_37 = tpu.memref_slice %arg4[%add3A_36] : memref<4194304xf32, #tpu.memory_space<hbm>> -> memref<16384xf32, #tpu.memory_space<hbm>>
    %dma_start3A_38 = tpu.memref_slice %arg4[%add3A_36] : memref<4194304xf32, #tpu.memory_space<hbm>> -> memref<16384xf32, #tpu.memory_space<hbm>>
    tpu.enqueue_dma source(%arg6 : memref<16384xf32, #tpu.memory_space<vmem>>) target(%dma_start3A_38 : memref<16384xf32, #tpu.memory_space<hbm>>) target_semaphore(%arg17 : memref<!tpu.dma_semaphore, #tpu.memory_space<semaphore_mem>>)
    %add3A_39 = arith.constant 0 : i32
    %add3A_40 = arith.addi %add3A_39, %mul3A_2 : i32
    %add3A_41 = arith.constant 16384 : i32
    %add3A_42 = arith.addi %add3A_40, %add3A_41 : i32
    %dma_start3A_43 = tpu.memref_slice %arg2[%add3A_42] : memref<4194304xf32, #tpu.memory_space<hbm>> -> memref<16384xf32, #tpu.memory_space<hbm>>
    %dma_start3A_44 = tpu.memref_slice %arg2[%add3A_42] : memref<4194304xf32, #tpu.memory_space<hbm>> -> memref<16384xf32, #tpu.memory_space<hbm>>
    tpu.enqueue_dma source(%dma_start3A_44 : memref<16384xf32, #tpu.memory_space<hbm>>) target(%arg10 : memref<16384xf32, #tpu.memory_space<vmem>>) target_semaphore(%arg16 : memref<!tpu.dma_semaphore, #tpu.memory_space<semaphore_mem>>)
    %dma_wait3A_45 = tpu.memref_slice %arg2[%add3A_13] : memref<4194304xf32, #tpu.memory_space<hbm>> -> memref<16384xf32, #tpu.memory_space<hbm>>
    %dma_wait3A_46 = tpu.memref_slice %arg2[%add3A_13] : memref<4194304xf32, #tpu.memory_space<hbm>> -> memref<16384xf32, #tpu.memory_space<hbm>>
    tpu.wait_dma2 semaphore(%arg13 : memref<!tpu.dma_semaphore, #tpu.memory_space<semaphore_mem>>) src(%dma_wait3A_46 : memref<16384xf32, #tpu.memory_space<hbm>>) dst(%arg7 : memref<16384xf32, #tpu.memory_space<vmem>>)
    %parallel_loop3A_47 = arith.constant 0 : i32
    %parallel_loop3A_48 = arith.constant 1024 : i32
    %parallel_loop3A_49 = arith.constant 1 : i32
    scf.for %parallel_loop3A_156 = %parallel_loop3A_47 to %parallel_loop3A_48 step %parallel_loop3A_49  : i32 {
      %parallel_loop3A_157 = arith.constant 16 : i32
      %parallel_loop3A_158 = arith.muli %parallel_loop3A_156, %parallel_loop3A_157 : i32
      %parallel_loop3A_159 = arith.index_cast %parallel_loop3A_158 : i32 to index
      %parallel_loop3A_160 = tpu.vector_load %arg7[%parallel_loop3A_159] {strides = array<i32>} : memref<16384xf32, #tpu.memory_space<vmem>>, vector<16xf32>,
      %parallel_loop3A_161 = vector.shape_cast %parallel_loop3A_160 : vector<16xf32> to vector<16xf32>
      %parallel_loop3A_162 = arith.constant 16 : i32
      %parallel_loop3A_163 = arith.muli %parallel_loop3A_156, %parallel_loop3A_162 : i32
      %parallel_loop3A_164 = arith.constant 0 : i32
      %parallel_loop3A_165 = arith.addi %parallel_loop3A_164, %parallel_loop3A_163 : i32
      %parallel_loop3A_166 = arith.index_cast %parallel_loop3A_165 : i32 to index
      %parallel_loop3A_167 = tpu.vector_load %arg5[%parallel_loop3A_166] {strides = array<i32>} : memref<32768xf32, #tpu.memory_space<vmem>>, vector<16xf32>,
      %parallel_loop3A_168 = vector.shape_cast %parallel_loop3A_167 : vector<16xf32> to vector<16xf32>
      %parallel_loop3A_169 = arith.addf %parallel_loop3A_161, %parallel_loop3A_168 : vector<16xf32>
      %parallel_loop3A_170 = arith.constant 16 : i32
      %parallel_loop3A_171 = arith.muli %parallel_loop3A_156, %parallel_loop3A_170 : i32
      %parallel_loop3A_172 = arith.index_cast %parallel_loop3A_171 : i32 to index
      %parallel_loop3A_173 = tpu.vector_load %arg7[%parallel_loop3A_172] {strides = array<i32>} : memref<16384xf32, #tpu.memory_space<vmem>>, vector<16xf32>,
      %parallel_loop3A_174 = vector.shape_cast %parallel_loop3A_173 : vector<16xf32> to vector<16xf32>
      %parallel_loop3A_175 = vector.shape_cast %parallel_loop3A_169 : vector<16xf32> to vector<16xf32>
      tpu.vector_store %arg7[%parallel_loop3A_172], %parallel_loop3A_175 {strides = array<i32>} : memref<16384xf32, #tpu.memory_space<vmem>>, vector<16xf32>,
    } {sc.loop_unroll_factor = 8 : i64, sc.parallel_access}
    %add3A_50 = arith.constant 1048576 : i32
    %add3A_51 = arith.addi %add3A_50, %mul3A_2 : i32
    %add3A_52 = arith.constant 0 : i32
    %add3A_53 = arith.addi %add3A_51, %add3A_52 : i32
    %dma_start3A_54 = tpu.memref_slice %arg4[%add3A_53] : memref<4194304xf32, #tpu.memory_space<hbm>> -> memref<16384xf32, #tpu.memory_space<hbm>>
    %dma_start3A_55 = tpu.memref_slice %arg4[%add3A_53] : memref<4194304xf32, #tpu.memory_space<hbm>> -> memref<16384xf32, #tpu.memory_space<hbm>>
    tpu.enqueue_dma source(%arg7 : memref<16384xf32, #tpu.memory_space<vmem>>) target(%dma_start3A_55 : memref<16384xf32, #tpu.memory_space<hbm>>) target_semaphore(%arg18 : memref<!tpu.dma_semaphore, #tpu.memory_space<semaphore_mem>>)
    %dma_wait3A_56 = tpu.memref_slice %arg4[%add3A_36] : memref<4194304xf32, #tpu.memory_space<hbm>> -> memref<16384xf32, #tpu.memory_space<hbm>>
    %dma_wait3A_57 = tpu.memref_slice %arg4[%add3A_36] : memref<4194304xf32, #tpu.memory_space<hbm>> -> memref<16384xf32, #tpu.memory_space<hbm>>
    tpu.wait_dma2 semaphore(%arg17 : memref<!tpu.dma_semaphore, #tpu.memory_space<semaphore_mem>>) src(%arg6 : memref<16384xf32, #tpu.memory_space<vmem>>) dst(%dma_wait3A_57 : memref<16384xf32, #tpu.memory_space<hbm>>)
    %add3A_58 = arith.constant 1048576 : i32
    %add3A_59 = arith.addi %add3A_58, %mul3A_2 : i32
    %add3A_60 = arith.constant 16384 : i32
    %add3A_61 = arith.addi %add3A_59, %add3A_60 : i32
    %dma_start3A_62 = tpu.memref_slice %arg2[%add3A_61] : memref<4194304xf32, #tpu.memory_space<hbm>> -> memref<16384xf32, #tpu.memory_space<hbm>>
    %dma_start3A_63 = tpu.memref_slice %arg2[%add3A_61] : memref<4194304xf32, #tpu.memory_space<hbm>> -> memref<16384xf32, #tpu.memory_space<hbm>>
    tpu.enqueue_dma source(%dma_start3A_63 : memref<16384xf32, #tpu.memory_space<hbm>>) target(%arg6 : memref<16384xf32, #tpu.memory_space<vmem>>) target_semaphore(%arg12 : memref<!tpu.dma_semaphore, #tpu.memory_space<semaphore_mem>>)
    %dma_wait3A_64 = tpu.memref_slice %arg2[%add3A_19] : memref<4194304xf32, #tpu.memory_space<hbm>> -> memref<16384xf32, #tpu.memory_space<hbm>>
    %dma_wait3A_65 = tpu.memref_slice %arg2[%add3A_19] : memref<4194304xf32, #tpu.memory_space<hbm>> -> memref<16384xf32, #tpu.memory_space<hbm>>
    tpu.wait_dma2 semaphore(%arg14 : memref<!tpu.dma_semaphore, #tpu.memory_space<semaphore_mem>>) src(%dma_wait3A_65 : memref<16384xf32, #tpu.memory_space<hbm>>) dst(%arg8 : memref<16384xf32, #tpu.memory_space<vmem>>)
    %parallel_loop3A_66 = arith.constant 0 : i32
    %parallel_loop3A_67 = arith.constant 1024 : i32
    %parallel_loop3A_68 = arith.constant 1 : i32
    scf.for %parallel_loop3A_156 = %parallel_loop3A_66 to %parallel_loop3A_67 step %parallel_loop3A_68  : i32 {
      %parallel_loop3A_157 = arith.constant 16 : i32
      %parallel_loop3A_158 = arith.muli %parallel_loop3A_156, %parallel_loop3A_157 : i32
      %parallel_loop3A_159 = arith.index_cast %parallel_loop3A_158 : i32 to index
      %parallel_loop3A_160 = tpu.vector_load %arg8[%parallel_loop3A_159] {strides = array<i32>} : memref<16384xf32, #tpu.memory_space<vmem>>, vector<16xf32>,
      %parallel_loop3A_161 = vector.shape_cast %parallel_loop3A_160 : vector<16xf32> to vector<16xf32>
      %parallel_loop3A_162 = arith.constant 16 : i32
      %parallel_loop3A_163 = arith.muli %parallel_loop3A_156, %parallel_loop3A_162 : i32
      %parallel_loop3A_164 = arith.constant 0 : i32
      %parallel_loop3A_165 = arith.addi %parallel_loop3A_164, %parallel_loop3A_163 : i32
      %parallel_loop3A_166 = arith.index_cast %parallel_loop3A_165 : i32 to index
      %parallel_loop3A_167 = tpu.vector_load %arg5[%parallel_loop3A_166] {strides = array<i32>} : memref<32768xf32, #tpu.memory_space<vmem>>, vector<16xf32>,
      %parallel_loop3A_168 = vector.shape_cast %parallel_loop3A_167 : vector<16xf32> to vector<16xf32>
      %parallel_loop3A_169 = arith.addf %parallel_loop3A_161, %parallel_loop3A_168 : vector<16xf32>
      %parallel_loop3A_170 = arith.constant 16 : i32
      %parallel_loop3A_171 = arith.muli %parallel_loop3A_156, %parallel_loop3A_170 : i32
      %parallel_loop3A_172 = arith.index_cast %parallel_loop3A_171 : i32 to index
      %parallel_loop3A_173 = tpu.vector_load %arg8[%parallel_loop3A_172] {strides = array<i32>} : memref<16384xf32, #tpu.memory_space<vmem>>, vector<16xf32>,
      %parallel_loop3A_174 = vector.shape_cast %parallel_loop3A_173 : vector<16xf32> to vector<16xf32>
      %parallel_loop3A_175 = vector.shape_cast %parallel_loop3A_169 : vector<16xf32> to vector<16xf32>
      tpu.vector_store %arg8[%parallel_loop3A_172], %parallel_loop3A_175 {strides = array<i32>} : memref<16384xf32, #tpu.memory_space<vmem>>, vector<16xf32>,
    } {sc.loop_unroll_factor = 8 : i64, sc.parallel_access}
    %add3A_69 = arith.constant 2097152 : i32
    %add3A_70 = arith.addi %add3A_69, %mul3A_2 : i32
    %add3A_71 = arith.constant 0 : i32
    %add3A_72 = arith.addi %add3A_70, %add3A_71 : i32
    %dma_start3A_73 = tpu.memref_slice %arg4[%add3A_72] : memref<4194304xf32, #tpu.memory_space<hbm>> -> memref<16384xf32, #tpu.memory_space<hbm>>
    %dma_start3A_74 = tpu.memref_slice %arg4[%add3A_72] : memref<4194304xf32, #tpu.memory_space<hbm>> -> memref<16384xf32, #tpu.memory_space<hbm>>
    tpu.enqueue_dma source(%arg8 : memref<16384xf32, #tpu.memory_space<vmem>>) target(%dma_start3A_74 : memref<16384xf32, #tpu.memory_space<hbm>>) target_semaphore(%arg19 : memref<!tpu.dma_semaphore, #tpu.memory_space<semaphore_mem>>)
    %dma_wait3A_75 = tpu.memref_slice %arg4[%add3A_53] : memref<4194304xf32, #tpu.memory_space<hbm>> -> memref<16384xf32, #tpu.memory_space<hbm>>
    %dma_wait3A_76 = tpu.memref_slice %arg4[%add3A_53] : memref<4194304xf32, #tpu.memory_space<hbm>> -> memref<16384xf32, #tpu.memory_space<hbm>>
    tpu.wait_dma2 semaphore(%arg18 : memref<!tpu.dma_semaphore, #tpu.memory_space<semaphore_mem>>) src(%arg7 : memref<16384xf32, #tpu.memory_space<vmem>>) dst(%dma_wait3A_76 : memref<16384xf32, #tpu.memory_space<hbm>>)
    %add3A_77 = arith.constant 2097152 : i32
    %add3A_78 = arith.addi %add3A_77, %mul3A_2 : i32
    %add3A_79 = arith.constant 16384 : i32
    %add3A_80 = arith.addi %add3A_78, %add3A_79 : i32
    %dma_start3A_81 = tpu.memref_slice %arg2[%add3A_80] : memref<4194304xf32, #tpu.memory_space<hbm>> -> memref<16384xf32, #tpu.memory_space<hbm>>
    %dma_start3A_82 = tpu.memref_slice %arg2[%add3A_80] : memref<4194304xf32, #tpu.memory_space<hbm>> -> memref<16384xf32, #tpu.memory_space<hbm>>
    tpu.enqueue_dma source(%dma_start3A_82 : memref<16384xf32, #tpu.memory_space<hbm>>) target(%arg7 : memref<16384xf32, #tpu.memory_space<vmem>>) target_semaphore(%arg13 : memref<!tpu.dma_semaphore, #tpu.memory_space<semaphore_mem>>)
    %dma_wait3A_83 = tpu.memref_slice %arg2[%add3A_25] : memref<4194304xf32, #tpu.memory_space<hbm>> -> memref<16384xf32, #tpu.memory_space<hbm>>
    %dma_wait3A_84 = tpu.memref_slice %arg2[%add3A_25] : memref<4194304xf32, #tpu.memory_space<hbm>> -> memref<16384xf32, #tpu.memory_space<hbm>>
    tpu.wait_dma2 semaphore(%arg15 : memref<!tpu.dma_semaphore, #tpu.memory_space<semaphore_mem>>) src(%dma_wait3A_84 : memref<16384xf32, #tpu.memory_space<hbm>>) dst(%arg9 : memref<16384xf32, #tpu.memory_space<vmem>>)
    %parallel_loop3A_85 = arith.constant 0 : i32
    %parallel_loop3A_86 = arith.constant 1024 : i32
    %parallel_loop3A_87 = arith.constant 1 : i32
    scf.for %parallel_loop3A_156 = %parallel_loop3A_85 to %parallel_loop3A_86 step %parallel_loop3A_87  : i32 {
      %parallel_loop3A_157 = arith.constant 16 : i32
      %parallel_loop3A_158 = arith.muli %parallel_loop3A_156, %parallel_loop3A_157 : i32
      %parallel_loop3A_159 = arith.index_cast %parallel_loop3A_158 : i32 to index
      %parallel_loop3A_160 = tpu.vector_load %arg9[%parallel_loop3A_159] {strides = array<i32>} : memref<16384xf32, #tpu.memory_space<vmem>>, vector<16xf32>,
      %parallel_loop3A_161 = vector.shape_cast %parallel_loop3A_160 : vector<16xf32> to vector<16xf32>
      %parallel_loop3A_162 = arith.constant 16 : i32
      %parallel_loop3A_163 = arith.muli %parallel_loop3A_156, %parallel_loop3A_162 : i32
      %parallel_loop3A_164 = arith.constant 0 : i32
      %parallel_loop3A_165 = arith.addi %parallel_loop3A_164, %parallel_loop3A_163 : i32
      %parallel_loop3A_166 = arith.index_cast %parallel_loop3A_165 : i32 to index
      %parallel_loop3A_167 = tpu.vector_load %arg5[%parallel_loop3A_166] {strides = array<i32>} : memref<32768xf32, #tpu.memory_space<vmem>>, vector<16xf32>,
      %parallel_loop3A_168 = vector.shape_cast %parallel_loop3A_167 : vector<16xf32> to vector<16xf32>
      %parallel_loop3A_169 = arith.addf %parallel_loop3A_161, %parallel_loop3A_168 : vector<16xf32>
      %parallel_loop3A_170 = arith.constant 16 : i32
      %parallel_loop3A_171 = arith.muli %parallel_loop3A_156, %parallel_loop3A_170 : i32
      %parallel_loop3A_172 = arith.index_cast %parallel_loop3A_171 : i32 to index
      %parallel_loop3A_173 = tpu.vector_load %arg9[%parallel_loop3A_172] {strides = array<i32>} : memref<16384xf32, #tpu.memory_space<vmem>>, vector<16xf32>,
      %parallel_loop3A_174 = vector.shape_cast %parallel_loop3A_173 : vector<16xf32> to vector<16xf32>
      %parallel_loop3A_175 = vector.shape_cast %parallel_loop3A_169 : vector<16xf32> to vector<16xf32>
      tpu.vector_store %arg9[%parallel_loop3A_172], %parallel_loop3A_175 {strides = array<i32>} : memref<16384xf32, #tpu.memory_space<vmem>>, vector<16xf32>,
    } {sc.loop_unroll_factor = 8 : i64, sc.parallel_access}
    %add3A_88 = arith.constant 3145728 : i32
    %add3A_89 = arith.addi %add3A_88, %mul3A_2 : i32
    %add3A_90 = arith.constant 0 : i32
    %add3A_91 = arith.addi %add3A_89, %add3A_90 : i32
    %dma_start3A_92 = tpu.memref_slice %arg4[%add3A_91] : memref<4194304xf32, #tpu.memory_space<hbm>> -> memref<16384xf32, #tpu.memory_space<hbm>>
    %dma_start3A_93 = tpu.memref_slice %arg4[%add3A_91] : memref<4194304xf32, #tpu.memory_space<hbm>> -> memref<16384xf32, #tpu.memory_space<hbm>>
    tpu.enqueue_dma source(%arg9 : memref<16384xf32, #tpu.memory_space<vmem>>) target(%dma_start3A_93 : memref<16384xf32, #tpu.memory_space<hbm>>) target_semaphore(%arg20 : memref<!tpu.dma_semaphore, #tpu.memory_space<semaphore_mem>>)
    %dma_wait3A_94 = tpu.memref_slice %arg4[%add3A_72] : memref<4194304xf32, #tpu.memory_space<hbm>> -> memref<16384xf32, #tpu.memory_space<hbm>>
    %dma_wait3A_95 = tpu.memref_slice %arg4[%add3A_72] : memref<4194304xf32, #tpu.memory_space<hbm>> -> memref<16384xf32, #tpu.memory_space<hbm>>
    tpu.wait_dma2 semaphore(%arg19 : memref<!tpu.dma_semaphore, #tpu.memory_space<semaphore_mem>>) src(%arg8 : memref<16384xf32, #tpu.memory_space<vmem>>) dst(%dma_wait3A_95 : memref<16384xf32, #tpu.memory_space<hbm>>)
    %add3A_96 = arith.constant 3145728 : i32
    %add3A_97 = arith.addi %add3A_96, %mul3A_2 : i32
    %add3A_98 = arith.constant 16384 : i32
    %add3A_99 = arith.addi %add3A_97, %add3A_98 : i32
    %dma_start3A_100 = tpu.memref_slice %arg2[%add3A_99] : memref<4194304xf32, #tpu.memory_space<hbm>> -> memref<16384xf32, #tpu.memory_space<hbm>>
    %dma_start3A_101 = tpu.memref_slice %arg2[%add3A_99] : memref<4194304xf32, #tpu.memory_space<hbm>> -> memref<16384xf32, #tpu.memory_space<hbm>>
    tpu.enqueue_dma source(%dma_start3A_101 : memref<16384xf32, #tpu.memory_space<hbm>>) target(%arg8 : memref<16384xf32, #tpu.memory_space<vmem>>) target_semaphore(%arg14 : memref<!tpu.dma_semaphore, #tpu.memory_space<semaphore_mem>>)
    %dma_wait3A_102 = tpu.memref_slice %arg2[%add3A_42] : memref<4194304xf32, #tpu.memory_space<hbm>> -> memref<16384xf32, #tpu.memory_space<hbm>>
    %dma_wait3A_103 = tpu.memref_slice %arg2[%add3A_42] : memref<4194304xf32, #tpu.memory_space<hbm>> -> memref<16384xf32, #tpu.memory_space<hbm>>
    tpu.wait_dma2 semaphore(%arg16 : memref<!tpu.dma_semaphore, #tpu.memory_space<semaphore_mem>>) src(%dma_wait3A_103 : memref<16384xf32, #tpu.memory_space<hbm>>) dst(%arg10 : memref<16384xf32, #tpu.memory_space<vmem>>)
    %parallel_loop3A_104 = arith.constant 0 : i32
    %parallel_loop3A_105 = arith.constant 1024 : i32
    %parallel_loop3A_106 = arith.constant 1 : i32
    scf.for %parallel_loop3A_156 = %parallel_loop3A_104 to %parallel_loop3A_105 step %parallel_loop3A_106  : i32 {
      %parallel_loop3A_157 = arith.constant 16 : i32
      %parallel_loop3A_158 = arith.muli %parallel_loop3A_156, %parallel_loop3A_157 : i32
      %parallel_loop3A_159 = arith.index_cast %parallel_loop3A_158 : i32 to index
      %parallel_loop3A_160 = tpu.vector_load %arg10[%parallel_loop3A_159] {strides = array<i32>} : memref<16384xf32, #tpu.memory_space<vmem>>, vector<16xf32>,
      %parallel_loop3A_161 = vector.shape_cast %parallel_loop3A_160 : vector<16xf32> to vector<16xf32>
      %parallel_loop3A_162 = arith.constant 16 : i32
      %parallel_loop3A_163 = arith.muli %parallel_loop3A_156, %parallel_loop3A_162 : i32
      %parallel_loop3A_164 = arith.constant 16384 : i32
      %parallel_loop3A_165 = arith.addi %parallel_loop3A_164, %parallel_loop3A_163 : i32
      %parallel_loop3A_166 = arith.index_cast %parallel_loop3A_165 : i32 to index
      %parallel_loop3A_167 = tpu.vector_load %arg5[%parallel_loop3A_166] {strides = array<i32>} : memref<32768xf32, #tpu.memory_space<vmem>>, vector<16xf32>,
      %parallel_loop3A_168 = vector.shape_cast %parallel_loop3A_167 : vector<16xf32> to vector<16xf32>
      %parallel_loop3A_169 = arith.addf %parallel_loop3A_161, %parallel_loop3A_168 : vector<16xf32>
      %parallel_loop3A_170 = arith.constant 16 : i32
      %parallel_loop3A_171 = arith.muli %parallel_loop3A_156, %parallel_loop3A_170 : i32
      %parallel_loop3A_172 = arith.index_cast %parallel_loop3A_171 : i32 to index
      %parallel_loop3A_173 = tpu.vector_load %arg10[%parallel_loop3A_172] {strides = array<i32>} : memref<16384xf32, #tpu.memory_space<vmem>>, vector<16xf32>,
      %parallel_loop3A_174 = vector.shape_cast %parallel_loop3A_173 : vector<16xf32> to vector<16xf32>
      %parallel_loop3A_175 = vector.shape_cast %parallel_loop3A_169 : vector<16xf32> to vector<16xf32>
      tpu.vector_store %arg10[%parallel_loop3A_172], %parallel_loop3A_175 {strides = array<i32>} : memref<16384xf32, #tpu.memory_space<vmem>>, vector<16xf32>,
    } {sc.loop_unroll_factor = 8 : i64, sc.parallel_access}
    %add3A_107 = arith.constant 0 : i32
    %add3A_108 = arith.addi %add3A_107, %mul3A_2 : i32
    %add3A_109 = arith.constant 16384 : i32
    %add3A_110 = arith.addi %add3A_108, %add3A_109 : i32
    %dma_start3A_111 = tpu.memref_slice %arg4[%add3A_110] : memref<4194304xf32, #tpu.memory_space<hbm>> -> memref<16384xf32, #tpu.memory_space<hbm>>
    %dma_start3A_112 = tpu.memref_slice %arg4[%add3A_110] : memref<4194304xf32, #tpu.memory_space<hbm>> -> memref<16384xf32, #tpu.memory_space<hbm>>
    tpu.enqueue_dma source(%arg10 : memref<16384xf32, #tpu.memory_space<vmem>>) target(%dma_start3A_112 : memref<16384xf32, #tpu.memory_space<hbm>>) target_semaphore(%arg21 : memref<!tpu.dma_semaphore, #tpu.memory_space<semaphore_mem>>)
    %dma_wait3A_113 = tpu.memref_slice %arg2[%add3A_61] : memref<4194304xf32, #tpu.memory_space<hbm>> -> memref<16384xf32, #tpu.memory_space<hbm>>
    %dma_wait3A_114 = tpu.memref_slice %arg2[%add3A_61] : memref<4194304xf32, #tpu.memory_space<hbm>> -> memref<16384xf32, #tpu.memory_space<hbm>>
    tpu.wait_dma2 semaphore(%arg12 : memref<!tpu.dma_semaphore, #tpu.memory_space<semaphore_mem>>) src(%dma_wait3A_114 : memref<16384xf32, #tpu.memory_space<hbm>>) dst(%arg6 : memref<16384xf32, #tpu.memory_space<vmem>>)
    %parallel_loop3A_115 = arith.constant 0 : i32
    %parallel_loop3A_116 = arith.constant 1024 : i32
    %parallel_loop3A_117 = arith.constant 1 : i32
    scf.for %parallel_loop3A_156 = %parallel_loop3A_115 to %parallel_loop3A_116 step %parallel_loop3A_117  : i32 {
      %parallel_loop3A_157 = arith.constant 16 : i32
      %parallel_loop3A_158 = arith.muli %parallel_loop3A_156, %parallel_loop3A_157 : i32
      %parallel_loop3A_159 = arith.index_cast %parallel_loop3A_158 : i32 to index
      %parallel_loop3A_160 = tpu.vector_load %arg6[%parallel_loop3A_159] {strides = array<i32>} : memref<16384xf32, #tpu.memory_space<vmem>>, vector<16xf32>,
      %parallel_loop3A_161 = vector.shape_cast %parallel_loop3A_160 : vector<16xf32> to vector<16xf32>
      %parallel_loop3A_162 = arith.constant 16 : i32
      %parallel_loop3A_163 = arith.muli %parallel_loop3A_156, %parallel_loop3A_162 : i32
      %parallel_loop3A_164 = arith.constant 16384 : i32
      %parallel_loop3A_165 = arith.addi %parallel_loop3A_164, %parallel_loop3A_163 : i32
      %parallel_loop3A_166 = arith.index_cast %parallel_loop3A_165 : i32 to index
      %parallel_loop3A_167 = tpu.vector_load %arg5[%parallel_loop3A_166] {strides = array<i32>} : memref<32768xf32, #tpu.memory_space<vmem>>, vector<16xf32>,
      %parallel_loop3A_168 = vector.shape_cast %parallel_loop3A_167 : vector<16xf32> to vector<16xf32>
      %parallel_loop3A_169 = arith.addf %parallel_loop3A_161, %parallel_loop3A_168 : vector<16xf32>
      %parallel_loop3A_170 = arith.constant 16 : i32
      %parallel_loop3A_171 = arith.muli %parallel_loop3A_156, %parallel_loop3A_170 : i32
      %parallel_loop3A_172 = arith.index_cast %parallel_loop3A_171 : i32 to index
      %parallel_loop3A_173 = tpu.vector_load %arg6[%parallel_loop3A_172] {strides = array<i32>} : memref<16384xf32, #tpu.memory_space<vmem>>, vector<16xf32>,
      %parallel_loop3A_174 = vector.shape_cast %parallel_loop3A_173 : vector<16xf32> to vector<16xf32>
      %parallel_loop3A_175 = vector.shape_cast %parallel_loop3A_169 : vector<16xf32> to vector<16xf32>
      tpu.vector_store %arg6[%parallel_loop3A_172], %parallel_loop3A_175 {strides = array<i32>} : memref<16384xf32, #tpu.memory_space<vmem>>, vector<16xf32>,
    } {sc.loop_unroll_factor = 8 : i64, sc.parallel_access}
    %add3A_118 = arith.constant 1048576 : i32
    %add3A_119 = arith.addi %add3A_118, %mul3A_2 : i32
    %add3A_120 = arith.constant 16384 : i32
    %add3A_121 = arith.addi %add3A_119, %add3A_120 : i32
    %dma_start3A_122 = tpu.memref_slice %arg4[%add3A_121] : memref<4194304xf32, #tpu.memory_space<hbm>> -> memref<16384xf32, #tpu.memory_space<hbm>>
    %dma_start3A_123 = tpu.memref_slice %arg4[%add3A_121] : memref<4194304xf32, #tpu.memory_space<hbm>> -> memref<16384xf32, #tpu.memory_space<hbm>>
    tpu.enqueue_dma source(%arg6 : memref<16384xf32, #tpu.memory_space<vmem>>) target(%dma_start3A_123 : memref<16384xf32, #tpu.memory_space<hbm>>) target_semaphore(%arg17 : memref<!tpu.dma_semaphore, #tpu.memory_space<semaphore_mem>>)
    %dma_wait3A_124 = tpu.memref_slice %arg2[%add3A_80] : memref<4194304xf32, #tpu.memory_space<hbm>> -> memref<16384xf32, #tpu.memory_space<hbm>>
    %dma_wait3A_125 = tpu.memref_slice %arg2[%add3A_80] : memref<4194304xf32, #tpu.memory_space<hbm>> -> memref<16384xf32, #tpu.memory_space<hbm>>
    tpu.wait_dma2 semaphore(%arg13 : memref<!tpu.dma_semaphore, #tpu.memory_space<semaphore_mem>>) src(%dma_wait3A_125 : memref<16384xf32, #tpu.memory_space<hbm>>) dst(%arg7 : memref<16384xf32, #tpu.memory_space<vmem>>)
    %parallel_loop3A_126 = arith.constant 0 : i32
    %parallel_loop3A_127 = arith.constant 1024 : i32
    %parallel_loop3A_128 = arith.constant 1 : i32
    scf.for %parallel_loop3A_156 = %parallel_loop3A_126 to %parallel_loop3A_127 step %parallel_loop3A_128  : i32 {
      %parallel_loop3A_157 = arith.constant 16 : i32
      %parallel_loop3A_158 = arith.muli %parallel_loop3A_156, %parallel_loop3A_157 : i32
      %parallel_loop3A_159 = arith.index_cast %parallel_loop3A_158 : i32 to index
      %parallel_loop3A_160 = tpu.vector_load %arg7[%parallel_loop3A_159] {strides = array<i32>} : memref<16384xf32, #tpu.memory_space<vmem>>, vector<16xf32>,
      %parallel_loop3A_161 = vector.shape_cast %parallel_loop3A_160 : vector<16xf32> to vector<16xf32>
      %parallel_loop3A_162 = arith.constant 16 : i32
      %parallel_loop3A_163 = arith.muli %parallel_loop3A_156, %parallel_loop3A_162 : i32
      %parallel_loop3A_164 = arith.constant 16384 : i32
      %parallel_loop3A_165 = arith.addi %parallel_loop3A_164, %parallel_loop3A_163 : i32
      %parallel_loop3A_166 = arith.index_cast %parallel_loop3A_165 : i32 to index
      %parallel_loop3A_167 = tpu.vector_load %arg5[%parallel_loop3A_166] {strides = array<i32>} : memref<32768xf32, #tpu.memory_space<vmem>>, vector<16xf32>,
      %parallel_loop3A_168 = vector.shape_cast %parallel_loop3A_167 : vector<16xf32> to vector<16xf32>
      %parallel_loop3A_169 = arith.addf %parallel_loop3A_161, %parallel_loop3A_168 : vector<16xf32>
      %parallel_loop3A_170 = arith.constant 16 : i32
      %parallel_loop3A_171 = arith.muli %parallel_loop3A_156, %parallel_loop3A_170 : i32
      %parallel_loop3A_172 = arith.index_cast %parallel_loop3A_171 : i32 to index
      %parallel_loop3A_173 = tpu.vector_load %arg7[%parallel_loop3A_172] {strides = array<i32>} : memref<16384xf32, #tpu.memory_space<vmem>>, vector<16xf32>,
      %parallel_loop3A_174 = vector.shape_cast %parallel_loop3A_173 : vector<16xf32> to vector<16xf32>
      %parallel_loop3A_175 = vector.shape_cast %parallel_loop3A_169 : vector<16xf32> to vector<16xf32>
      tpu.vector_store %arg7[%parallel_loop3A_172], %parallel_loop3A_175 {strides = array<i32>} : memref<16384xf32, #tpu.memory_space<vmem>>, vector<16xf32>,
    } {sc.loop_unroll_factor = 8 : i64, sc.parallel_access}
    %add3A_129 = arith.constant 2097152 : i32
    %add3A_130 = arith.addi %add3A_129, %mul3A_2 : i32
    %add3A_131 = arith.constant 16384 : i32
    %add3A_132 = arith.addi %add3A_130, %add3A_131 : i32
    %dma_start3A_133 = tpu.memref_slice %arg4[%add3A_132] : memref<4194304xf32, #tpu.memory_space<hbm>> -> memref<16384xf32, #tpu.memory_space<hbm>>
    %dma_start3A_134 = tpu.memref_slice %arg4[%add3A_132] : memref<4194304xf32, #tpu.memory_space<hbm>> -> memref<16384xf32, #tpu.memory_space<hbm>>
    tpu.enqueue_dma source(%arg7 : memref<16384xf32, #tpu.memory_space<vmem>>) target(%dma_start3A_134 : memref<16384xf32, #tpu.memory_space<hbm>>) target_semaphore(%arg18 : memref<!tpu.dma_semaphore, #tpu.memory_space<semaphore_mem>>)
    %dma_wait3A_135 = tpu.memref_slice %arg2[%add3A_99] : memref<4194304xf32, #tpu.memory_space<hbm>> -> memref<16384xf32, #tpu.memory_space<hbm>>
    %dma_wait3A_136 = tpu.memref_slice %arg2[%add3A_99] : memref<4194304xf32, #tpu.memory_space<hbm>> -> memref<16384xf32, #tpu.memory_space<hbm>>
    tpu.wait_dma2 semaphore(%arg14 : memref<!tpu.dma_semaphore, #tpu.memory_space<semaphore_mem>>) src(%dma_wait3A_136 : memref<16384xf32, #tpu.memory_space<hbm>>) dst(%arg8 : memref<16384xf32, #tpu.memory_space<vmem>>)
    %parallel_loop3A_137 = arith.constant 0 : i32
    %parallel_loop3A_138 = arith.constant 1024 : i32
    %parallel_loop3A_139 = arith.constant 1 : i32
    scf.for %parallel_loop3A_156 = %parallel_loop3A_137 to %parallel_loop3A_138 step %parallel_loop3A_139  : i32 {
      %parallel_loop3A_157 = arith.constant 16 : i32
      %parallel_loop3A_158 = arith.muli %parallel_loop3A_156, %parallel_loop3A_157 : i32
      %parallel_loop3A_159 = arith.index_cast %parallel_loop3A_158 : i32 to index
      %parallel_loop3A_160 = tpu.vector_load %arg8[%parallel_loop3A_159] {strides = array<i32>} : memref<16384xf32, #tpu.memory_space<vmem>>, vector<16xf32>,
      %parallel_loop3A_161 = vector.shape_cast %parallel_loop3A_160 : vector<16xf32> to vector<16xf32>
      %parallel_loop3A_162 = arith.constant 16 : i32
      %parallel_loop3A_163 = arith.muli %parallel_loop3A_156, %parallel_loop3A_162 : i32
      %parallel_loop3A_164 = arith.constant 16384 : i32
      %parallel_loop3A_165 = arith.addi %parallel_loop3A_164, %parallel_loop3A_163 : i32
      %parallel_loop3A_166 = arith.index_cast %parallel_loop3A_165 : i32 to index
      %parallel_loop3A_167 = tpu.vector_load %arg5[%parallel_loop3A_166] {strides = array<i32>} : memref<32768xf32, #tpu.memory_space<vmem>>, vector<16xf32>,
      %parallel_loop3A_168 = vector.shape_cast %parallel_loop3A_167 : vector<16xf32> to vector<16xf32>
      %parallel_loop3A_169 = arith.addf %parallel_loop3A_161, %parallel_loop3A_168 : vector<16xf32>
      %parallel_loop3A_170 = arith.constant 16 : i32
      %parallel_loop3A_171 = arith.muli %parallel_loop3A_156, %parallel_loop3A_170 : i32
      %parallel_loop3A_172 = arith.index_cast %parallel_loop3A_171 : i32 to index
      %parallel_loop3A_173 = tpu.vector_load %arg8[%parallel_loop3A_172] {strides = array<i32>} : memref<16384xf32, #tpu.memory_space<vmem>>, vector<16xf32>,
      %parallel_loop3A_174 = vector.shape_cast %parallel_loop3A_173 : vector<16xf32> to vector<16xf32>
      %parallel_loop3A_175 = vector.shape_cast %parallel_loop3A_169 : vector<16xf32> to vector<16xf32>
      tpu.vector_store %arg8[%parallel_loop3A_172], %parallel_loop3A_175 {strides = array<i32>} : memref<16384xf32, #tpu.memory_space<vmem>>, vector<16xf32>,
    } {sc.loop_unroll_factor = 8 : i64, sc.parallel_access}
    %add3A_140 = arith.constant 3145728 : i32
    %add3A_141 = arith.addi %add3A_140, %mul3A_2 : i32
    %add3A_142 = arith.constant 16384 : i32
    %add3A_143 = arith.addi %add3A_141, %add3A_142 : i32
    %dma_start3A_144 = tpu.memref_slice %arg4[%add3A_143] : memref<4194304xf32, #tpu.memory_space<hbm>> -> memref<16384xf32, #tpu.memory_space<hbm>>
    %dma_start3A_145 = tpu.memref_slice %arg4[%add3A_143] : memref<4194304xf32, #tpu.memory_space<hbm>> -> memref<16384xf32, #tpu.memory_space<hbm>>
    tpu.enqueue_dma source(%arg8 : memref<16384xf32, #tpu.memory_space<vmem>>) target(%dma_start3A_145 : memref<16384xf32, #tpu.memory_space<hbm>>) target_semaphore(%arg19 : memref<!tpu.dma_semaphore, #tpu.memory_space<semaphore_mem>>)
    %dma_wait3A_146 = tpu.memref_slice %arg4[%add3A_91] : memref<4194304xf32, #tpu.memory_space<hbm>> -> memref<16384xf32, #tpu.memory_space<hbm>>
    %dma_wait3A_147 = tpu.memref_slice %arg4[%add3A_91] : memref<4194304xf32, #tpu.memory_space<hbm>> -> memref<16384xf32, #tpu.memory_space<hbm>>
    tpu.wait_dma2 semaphore(%arg20 : memref<!tpu.dma_semaphore, #tpu.memory_space<semaphore_mem>>) src(%arg9 : memref<16384xf32, #tpu.memory_space<vmem>>) dst(%dma_wait3A_147 : memref<16384xf32, #tpu.memory_space<hbm>>)
    %dma_wait3A_148 = tpu.memref_slice %arg4[%add3A_110] : memref<4194304xf32, #tpu.memory_space<hbm>> -> memref<16384xf32, #tpu.memory_space<hbm>>
    %dma_wait3A_149 = tpu.memref_slice %arg4[%add3A_110] : memref<4194304xf32, #tpu.memory_space<hbm>> -> memref<16384xf32, #tpu.memory_space<hbm>>
    tpu.wait_dma2 semaphore(%arg21 : memref<!tpu.dma_semaphore, #tpu.memory_space<semaphore_mem>>) src(%arg10 : memref<16384xf32, #tpu.memory_space<vmem>>) dst(%dma_wait3A_149 : memref<16384xf32, #tpu.memory_space<hbm>>)
    %dma_wait3A_150 = tpu.memref_slice %arg4[%add3A_121] : memref<4194304xf32, #tpu.memory_space<hbm>> -> memref<16384xf32, #tpu.memory_space<hbm>>
    %dma_wait3A_151 = tpu.memref_slice %arg4[%add3A_121] : memref<4194304xf32, #tpu.memory_space<hbm>> -> memref<16384xf32, #tpu.memory_space<hbm>>
    tpu.wait_dma2 semaphore(%arg17 : memref<!tpu.dma_semaphore, #tpu.memory_space<semaphore_mem>>) src(%arg6 : memref<16384xf32, #tpu.memory_space<vmem>>) dst(%dma_wait3A_151 : memref<16384xf32, #tpu.memory_space<hbm>>)
    %dma_wait3A_152 = tpu.memref_slice %arg4[%add3A_132] : memref<4194304xf32, #tpu.memory_space<hbm>> -> memref<16384xf32, #tpu.memory_space<hbm>>
    %dma_wait3A_153 = tpu.memref_slice %arg4[%add3A_132] : memref<4194304xf32, #tpu.memory_space<hbm>> -> memref<16384xf32, #tpu.memory_space<hbm>>
    tpu.wait_dma2 semaphore(%arg18 : memref<!tpu.dma_semaphore, #tpu.memory_space<semaphore_mem>>) src(%arg7 : memref<16384xf32, #tpu.memory_space<vmem>>) dst(%dma_wait3A_153 : memref<16384xf32, #tpu.memory_space<hbm>>)
    %dma_wait3A_154 = tpu.memref_slice %arg4[%add3A_143] : memref<4194304xf32, #tpu.memory_space<hbm>> -> memref<16384xf32, #tpu.memory_space<hbm>>
    %dma_wait3A_155 = tpu.memref_slice %arg4[%add3A_143] : memref<4194304xf32, #tpu.memory_space<hbm>> -> memref<16384xf32, #tpu.memory_space<hbm>>
    tpu.wait_dma2 semaphore(%arg19 : memref<!tpu.dma_semaphore, #tpu.memory_space<semaphore_mem>>) src(%arg8 : memref<16384xf32, #tpu.memory_space<vmem>>) dst(%dma_wait3A_155 : memref<16384xf32, #tpu.memory_space<hbm>>)
    return
  }
}

</mosaic_0001>

<sc_bundles>
// kernel: kernel.3.cloned.1.call-start
scs
__scs_entry_jumppad:
0x0: {  	(pc) =	sbr.rel $0x88, $3  }
0x1: {  	(tag) =	ssettag $0x0;
	lr =	simm.s32 $0x1  }
0x2: {  	[smem:$0x3F9F] =	sst lr;
	_ =	strace $0xD0000000  }
0x3: {  	_ = 	snop  }
0x4: {  	_ = 	snop  }
0x5: {  	_ = 	snop  }
0x6: {  	_ = 	snop  }
0x7: {  	_ = 	snop  }
__scs_overlays_trampoline_lowered:
0x8: {  	[smem:$0x3FAE] =	sst s0  }
0x9: {  	[smem:$0x3FAF] =	sst s1  }
0xa: {  	[smem:$0x3FB0] =	sst s2  }
0xb: {  	[smem:$0x3FB1] =	sst s3  }
0xc: {  	[smem:$0x3FB2] =	sst s4  }
0xd: {  	[smem:$0x3FB3] =	sst s5  }
0xe: {  	[smem:$0x3FB4] =	sst s6  }
0xf: {  	[smem:$0x3FB5] =	sst s7  }
0x10: {  	[smem:$0x3FB6] =	sst s8  }
0x11: {  	[smem:$0x3FB7] =	sst s9;
	s0 =	simm.s32 @!p0 $0x0  }
0x12: {  	s1 =	sld [smem:$0x3F9D];
	s0 =	simm.s32 @p0 $0x1  }
0x13: {  	[smem:$0x3FB8] =	sst s0;
	s0 =	simm.s32 @!p1 $0x0  }
0x14: {  	s2 =	sld [smem:$0x3F9C];
	s0 =	simm.s32 @p1 $0x1  }
0x15: {  	[smem:$0x3FB9] =	sst s0;
	s0 =	simm.s32 @!p2 $0x0  }
0x16: {  	s3 =	sld [smem:$0x3FDB];
	s0 =	simm.s32 @p2 $0x1  }
0x17: {  	s4 =	simm.s32 $0x1BF5;
	[smem:$0x3FBB] =	sst s0  }
0x18: {  	s0 =	sld [smem:$0x3F9E];
	_ =	swait.ge [sflag:s4], $0x0  }
0x19: {  	s7 =	sld [smem:$0x3F9F]  }
0x1a: {  	s8 =	sadd.s32 $0xFFFFE003, lr  }
0x1b: {  	s9 =	sadd.s32 $0xFFFFFEF7, lr;
	s5 =	simm.s32 $0xFFFFFFFF;
	p2 =	slt.u32 s8, $0xFFFFF086  }
0x1c: {  	p1 =	slt.u32 s9, $0xF7A;
	s5 =	simm.s32 @!p2 $0x0  }
0x1d: {  	s5 =	simm.s32 @p1 $0x1;
	p0 =	seq.s32 s7, s2  }
0x1e: {  	s7 =	smul.u32 @!p0 $0xF7A, s2;
	p2 =	seq.s32 @!p0 s5, $0x0  }
0x1f: {  	s9 =	smul.u32 $0xF7A, s1;
	s8 =	simm.s32 @!p0 $0x1BF5;
	p2 =	por !p2, p0  }
0x20: {  	[sflag:s8] =	ssyncset.s32 @!p0 $0xFFFFF086;
	s6 =	sadd.s32 @!p0 s3, s7;
	s7 =	simm.s32 @!p0 $0x108  }
0x21: {  	s3 =	sadd.s32 s3, s9;
	s6 =	sadd.s32 @!p0 $0x88, s6;
	s7 =	simm.s32 @p2 $0x1082  }
0x22: {  	[simem:s7], [sflag:s8] =	dma.local @!p0 [hbm:s6], $0xF7A  }
0x23: {  	s9 =	sor.u32 $0xD0000000, s2;
	s6 =	simm.s32 $0x108;
	_ =	swait.ge @!p0 [sflag:s8], $0x0  }
0x24: {  	s3 =	sadd.s32 $0x88, s3;
	s6 =	simm.s32 @!p1 $0x1082;
	[sflag:s4] =	ssyncset.s32 $0xFFFFF086  }
0x25: {  	[simem:s6], [sflag:s4] =	dma.local [hbm:s3], $0xF7A  }
0x26: {  	[smem:$0x3F9F] =	sst s1;
	(tag) =	ssettag s2;
	_ =	strace s9  }
0x27: {  	s1 =	sld [smem:$0x3FAF]  }
0x28: {  	s2 =	sld [smem:$0x3FB0]  }
0x29: {  	s4 =	sld [smem:$0x3FB2]  }
0x2a: {  	p0 =	seq.s32 s5, $0x0;
	s5 =	sld [smem:$0x3FB3]  }
0x2b: {  	s6 =	sld [smem:$0x3FB4]  }
0x2c: {  	s7 =	sld [smem:$0x3FB5]  }
0x2d: {  	s3 =	simm.s32 $0x108;
	s8 =	sld [smem:$0x3FB6]  }
0x2e: {  	s3 =	simm.s32 @!p0 $0x1082;
	s9 =	sld [smem:$0x3FB7]  }
0x2f: {  	lr =	sadd.s32 s0, s3;
	s0 =	sld [smem:$0x3FAE]  }
0x30: {  	s3 =	sld [smem:$0x3FB1]  }
0x31: {  	[smem:$0x3FBA] =	sst s10  }
0x32: {  	s10 =	sld [smem:$0x3FB8];
	_ =	sdelay $0x3  }
0x33: {  	p0 =	seq.s32 s10, $0x1;
	s10 =	sld [smem:$0x3FBA];
	_ =	sdelay $0x3  }
0x34: {  	[smem:$0x3FBA] =	sst s10  }
0x35: {  	s10 =	sld [smem:$0x3FB9];
	_ =	sdelay $0x3  }
0x36: {  	p1 =	seq.s32 s10, $0x1;
	s10 =	sld [smem:$0x3FBA];
	_ =	sdelay $0x3  }
0x37: {  	[smem:$0x3FBA] =	sst s10  }
0x38: {  	s10 =	sld [smem:$0x3FBB]  }
0x39: {  	_ = 	snop;
	(pc) =	sbr.ind lr, $3  }
0x3a: {  	_ = 	snop  }
0x3b: {  	_ = 	snop  }
0x3c: {  	p2 =	seq.s32 s10, $0x1;
	s10 =	sld [smem:$0x3FBA]  }
0x3d: {  	_ =	shalt  }
0x3e: {  	_ =	shalt  }
0x3f: {  	_ =	shalt  }
0x40: {  	_ =	shalt  }
0x41: {  	_ =	shalt  }
0x42: {  	_ =	shalt  }
0x43: {  	_ =	shalt  }
0x44: {  	_ =	shalt  }
0x45: {  	_ =	shalt  }
0x46: {  	_ =	shalt  }
0x47: {  	_ =	shalt  }
0x48: {  	_ =	shalt  }
0x49: {  	_ =	shalt  }
0x4a: {  	_ =	shalt  }
0x4b: {  	_ =	shalt  }
0x4c: {  	_ =	shalt  }
0x4d: {  	_ =	shalt  }
0x4e: {  	_ =	shalt  }
0x4f: {  	_ =	shalt  }
0x50: {  	_ =	shalt  }
0x51: {  	_ =	shalt  }
0x52: {  	_ =	shalt  }
0x53: {  	_ =	shalt  }
0x54: {  	_ =	shalt  }
0x55: {  	_ =	shalt  }
0x56: {  	_ =	shalt  }
0x57: {  	_ =	shalt  }
0x58: {  	_ =	shalt  }
0x59: {  	_ =	shalt  }
0x5a: {  	_ =	shalt  }
0x5b: {  	_ =	shalt  }
0x5c: {  	_ =	shalt  }
0x5d: {  	_ =	shalt  }
0x5e: {  	_ =	shalt  }
0x5f: {  	_ =	shalt  }
0x60: {  	_ =	shalt  }
0x61: {  	_ =	shalt  }
0x62: {  	_ =	shalt  }
0x63: {  	_ =	shalt  }
0x64: {  	_ =	shalt  }
0x65: {  	_ =	shalt  }
0x66: {  	_ =	shalt  }
0x67: {  	_ =	shalt  }
0x68: {  	_ =	shalt  }
0x69: {  	_ =	shalt  }
0x6a: {  	_ =	shalt  }
0x6b: {  	_ =	shalt  }
0x6c: {  	_ =	shalt  }
0x6d: {  	_ =	shalt  }
0x6e: {  	_ =	shalt  }
0x6f: {  	_ =	shalt  }
0x70: {  	_ =	shalt  }
0x71: {  	_ =	shalt  }
0x72: {  	_ =	shalt  }
0x73: {  	_ =	shalt  }
0x74: {  	_ =	shalt  }
0x75: {  	_ =	shalt  }
0x76: {  	_ =	shalt  }
0x77: {  	_ =	shalt  }
0x78: {  	_ =	shalt  }
0x79: {  	_ =	shalt  }
0x7a: {  	_ =	shalt  }
0x7b: {  	_ =	shalt  }
0x7c: {  	_ =	shalt  }
0x7d: {  	_ =	shalt  }
0x7e: {  	_ =	shalt  }
0x7f: {  	_ =	shalt  }
0x80: {  	_ =	shalt  }
0x81: {  	_ =	shalt  }
0x82: {  	_ =	shalt  }
0x83: {  	_ =	shalt  }
0x84: {  	_ =	shalt  }
0x85: {  	_ =	shalt  }
0x86: {  	_ =	shalt  }
0x87: {  	_ =	shalt  }
.Lfunc_end0:
.L_simem_size_0:
called_computation_lowered:
.L_overlay_start_0:
0x88: {  	s2 =	sld [smem:$0x3FD9]  }
0x89: {  	s3 =	sld [smem:$0x3FFE];
	_ =	sdelay $0x1  }
0x8a: {  	s1 =	srdreg.scid  }
0x8b: {  	s0 =	sand.u32 $0x1, s1  }
0x8c: {  	s18 =	sshll.u32 s0, $0xA;
	s2 =	sadd.s32 s3, s2  }
0x8d: {  	s2 =	sadd.s32 s2, s18  }
0x8e: {  	[smem:$0x3FC6] =	sst s2  }
0x8f: {  	_ = 	snop  }
0x90: {  	s2 =	sld [smem:$0x3FC9]  }
0x91: {  	s19 =	sld [smem:$0x3FC8]  }
0x92: {  	s4 =	sld [smem:$0x3FD0];
	(tm) =	ssettm $0x1  }
0x93: {  	s5 =	sld [smem:$0x3FFB];
	_ =	sdelay $0x3  }
0x94: {  	_ =	strace s5  }
0x95: {  	s5 =	sld [smem:$0x3FFC];
	_ =	sdelay $0x3  }
0x96: {  	_ =	strace s5  }
0x97: {  	s5 =	sld [smem:$0x3FFD];
	_ =	sdelay $0x3  }
0x98: {  	_ =	strace s5  }
0x99: {  	_ =	strace $0x8FFFFFFF  }
0x9a: {  	s20 =	sld [smem:$0x3FDB];
	_ =	sdelay $0x1  }
0x9b: {  	s6 =	simm.s32 $_scs_section_size  }
0x9c: {  	s7 =	simm.s32 $_size__tile_overlayer_lowered;
	s8 =	simm.s32 $_tile_overlayer_lowered  }
0x9d: {  	s23 =	simm.s32 $0x1BFF;
	s22 =	sshll.u32 s8, $0x1;
	s5 =	sadd.s32 s6, s20  }
0x9e: {  	s9 =	simm.s32 $0x0;
	s21 =	sshll.u32 s7, $0x1;
	s7 =	sadd.s32 s22, s5  }
0x9f: {  	[timem:s9], [sflag:s23] =	dma.local [hbm:s7], s21  }
0xa0: {  	_ =	swait.ge [sflag:s23], s21  }
0xa1: {  	s6 =	ssub.s32 $0x0, s21;
	[sflag:s23] =	ssyncset.done $0x0  }
0xa2: {  	[sflag:s23] =	ssyncadd.s32 s6;
	_ =	sdelay $0x1  }
0xa3: {  	s24 =	simm.s32 $0x1B8B  }
0xa4: {  	_ =	swait.ge [sflag:s24], $0x1  }
0xa5: {  	[sflag:s24] =	ssyncset.done $0x0  }
0xa6: {  	s25 =	simm.s32 $0x1B8E;
	[sflag:s24] =	ssyncadd.s32 $0xFFFFFFFF  }
0xa7: {  	s26 =	simm.s32 $execute0_lowered;
	[smem:$0x3FD2] =	sst s25  }
0xa8: {  	s6 =	sshll.u32 s26, $0x1;
	_ =	strace $0x80000046;
	[dreg:$0x1] =	wrdreg $0xFFFFFFFF  }
0xa9: {  	s28 =	simm.s32 $_size_execute0_lowered;
	s5 =	sadd.s32 s5, s6;
	[dreg:$0x0] =	wrdreg $0x0  }
0xaa: {  	s6 =	sshll.u32 s28, $0x1;
	[dreg:$0x2] =	wrdreg s5  }
0xab: {  	[dreg:$0x3] =	wrdreg s6  }
0xac: {  	[dreg:$0x4] =	wrdreg $0xC0  }
0xad: {  	_ =	task [dreg:s9], $0x5FFFF  }
0xae: {  	[dreg:$0x1] =	wrdreg $0xFFFFFFFF  }
0xaf: {  	[dreg:$0x0] =	wrdreg $0x60  }
0xb0: {  	[dreg:$0x2] =	wrdreg s2  }
0xb1: {  	[dreg:$0x3] =	wrdreg s19  }
0xb2: {  	[dreg:$0x4] =	wrdreg s4  }
0xb3: {  	[dreg:$0x5] =	wrdreg $0x9  }
0xb4: {  	_ =	task.clear_ibuf [dreg:s9], $0x6FFFF;
	_ =	strace $0x90000046  }
0xb5: {  	s29 =	simm.s32 $0x9;
	_ =	strace $0x80000048  }
0xb6: {  	_ =	swait.ge [sflag:s29], $0x1  }
0xb7: {  	[sflag:s29] =	ssyncadd.s32 $0xFFFFFFFF  }
0xb8: {  	_ =	strace $0x90000048  }
0xb9: {  	_ =	sfence  }
0xba: {  	s30 =	sld [smem:$0x0];
	_ =	sdelay $0x2  }
0xbb: {  	s31 =	sshll.u32 s1, $0xD;
	s1 =	sshrl.u32 s1, $0x2  }
0xbc: {  	s3 =	sand.u32 $0x4000, s31;
	s1 =	sadd.s32 s1, s30  }
0xbd: {  	s0 =	sor.u32 s3, s0;
	s1 =	sshll.u32 s1, $0x11  }
0xbe: {  	s0 =	sor.u32 s1, s0  }
0xbf: {  	s0 =	sadd.s32 $0x8F2B, s0  }
0xc0: {  	[sflag:s0] =	ssyncadd.remote.s32 $0x1  }
0xc1: {  	_ =	sfence.sel $0xFFFF  }
0xc2: {  	[dreg:$0x0] =	wrdreg $0xFFFFFFFF;
	(pc) =	sbr.abs _section_cstart, $3  }
0xc3: {  	[dreg:$0x1] =	wrdreg $0xFFFFFFFF  }
0xc4: {  	_ =	task.clear_ibuf [dreg:s9], $0x2FFFF;
	_ =	strace $0x9FFFFFFF  }
0xc5: {  	(tm) =	ssettm $0x7FFFFFFF  }
tec
execute0_lowered:
.L_overlay_start_1:
0x0: {  	(tag) =	ssettag $0x1  }
0x1: {  	s0 =	rddreg [dreg:$0x0]  }
0x2: {  	s1 =	rddreg [dreg:$0x1]  }
0x3: {  	s3 =	rddreg [dreg:$0x2]  }
0x4: {  	s4 =	srdreg.scid;
	s2 =	simm.s32 $0x0;
	s7 =	stileid.u32  }
0x5: {  	s28 =	simm.s32 $0x18000;
	s29 =	simm.s32 $0x3;
	s30 =	simm.s32 $0x7  }
0x6: {  	s31 =	simm.s32 $0x4;
	s4 =	sand.u32 $0x1, s4;
	[smem:$0x7FF] =	sst s2  }
0x7: {  	s7 =	sshll.u32 s7, $0xD;
	s5 =	ssub.s32 $0x2, s4;
	s4 =	sshll.u32 s4, $0xC  }
0x8: {  	_ =	strace $0x80000047;
	s6 =	sshrl.u32 s5, $0x1;
	s4 =	sor.u32 s4, s7  }
0x9: {  	s5 =	ssub.s32 s5, s6;
	s1 =	sadd.s32 s1, s4;
	s17 =	sadd.s32 s0, s4  }
0xa: {  	s18 =	sor.u32 $0x20000, s4;
	s20 =	sor.u32 $0x40000, s4;
	s7 =	sor.u32 $0x60000, s4  }
0xb: {  	s22 =	sor.u32 $0x800, s4;
	s9 =	sadd.s32 s3, s4;
	s24 =	sor.u32 $0x20800, s4  }
0xc: {  	s26 =	sor.u32 $0x40800, s4;
	s4 =	sor.u32 $0x60800, s4;
	[dreg:$0x4] =	wrdreg s1  }
0xd: {  	s6 =	simm.s32 $0xB;
	[dreg:$0x5] =	wrdreg s17;
	s19 =	sadd.s32 s0, s18  }
0xe: {  	s8 =	sadd.s32 s0, s20;
	s21 =	sadd.s32 s0, s7;
	[dreg:$0x9] =	wrdreg s9  }
0xf: {  	s23 =	sadd.s32 s0, s22;
	s1 =	sadd.s32 s3, s18;
	s25 =	sadd.s32 s0, s24  }
0x10: {  	s12 =	sadd.s32 s3, s20;
	s13 =	sadd.s32 s0, s26;
	s14 =	sadd.s32 s3, s7  }
0x11: {  	s15 =	sadd.s32 s0, s4;
	s16 =	sadd.s32 s3, s22;
	[dreg:$0x6] =	wrdreg s19  }
0x12: {  	s17 =	sadd.s32 s3, s24;
	s18 =	sadd.s32 s3, s26;
	[dreg:$0x7] =	wrdreg s8  }
0x13: {  	s20 =	smax.u32 s5, $0x1;
	s22 =	simm.s32 $0xC000;
	[dreg:$0x8] =	wrdreg s21  }
0x14: {  	s24 =	simm.s32 $0x14000;
	s26 =	simm.s32 $0x2;
	[dreg:$0xa] =	wrdreg s23  }
0x15: {  	s0 =	simm.s32 $0x8;
	s5 =	simm.s32 $0xA;
	[dreg:$0xb] =	wrdreg s1  }
0x16: {  	s7 =	simm.s32 $0x0;
	[dreg:$0xc] =	wrdreg s25;
	s19 =	sadd.s32 s3, s4  }
0x17: {  	s21 =	simm.s32 $0x8000;
	s23 =	simm.s32 $0x10000;
	s25 =	simm.s32 $0x1  }
0x18: {  	s1 =	simm.s32 $0x5;
	s3 =	simm.s32 $0x9;
	s4 =	simm.s32 $0x6  }
.LBB2_1:
0x19: {  	s8 =	rddreg [dreg:$0x4]  }
0x1a: {  	[tilespmem:s2], [sflag:$0x1] =	stream.linear.gather [hbm4b:s8+s2], $0x8000, $0x38;
	[tilespmem:$0x1C000] =	vst v63  }
0x1b: {  	s11 =	rddreg [dreg:$0x5]  }
0x1c: {  	[tilespmem:s21], [sflag:$0x2] =	stream.linear.gather [hbm4b:s11+s2], $0x4000, $0x38;
	[tilespmem:$0x1C000] =	vst v63  }
0x1d: {  	s9 =	rddreg [dreg:$0x6]  }
0x1e: {  	[tilespmem:s22], [sflag:$0x3] =	stream.linear.gather [hbm4b:s9+s2], $0x4000, $0x38;
	[tilespmem:$0x1C000] =	vst v63  }
0x1f: {  	s10 =	rddreg [dreg:$0x7]  }
0x20: {  	[tilespmem:s23], [sflag:$0x4] =	stream.linear.gather [hbm4b:s10+s2], $0x4000, $0x38;
	[tilespmem:$0x1C000] =	vst v63  }
0x21: {  	s11 =	rddreg [dreg:$0x8]  }
0x22: {  	[tilespmem:s24], [sflag:$0x5] =	stream.linear.gather [hbm4b:s11+s2], $0x4000, $0x38;
	[tilespmem:$0x1C000] =	vst v63  }
0x23: {  	_ =	swait.ge [sflag:s25], $0x8000  }
0x24: {  	[sflag:s25] =	ssyncset.done $0x0  }
0x25: {  	[sflag:s25] =	ssyncadd.s32 $0xFFFF8000  }
0x26: {  	_ =	swait.ge [sflag:s26], $0x4000  }
0x27: {  	[sflag:s26] =	ssyncset.done $0x0  }
0x28: {  	s8 =	simm.s32 $0x8040;
	[sflag:s26] =	ssyncadd.s32 $0xFFFFC000  }
0x29: {  	s9 =	simm.s32 $0x40;
	v1 =	vld [tilespmem:s8+$0x30]  }
0x2a: {  	v2 =	vld [tilespmem:s9+$0x30]  }
0x2b: {  	v0 =	vld [tilespmem:s9+$0xFFFFFFC0]  }
0x2c: {  	v3 =	vld [tilespmem:s8+$0xFFFFFFD0]  }
0x2d: {  	v4 =	vld [tilespmem:s9+$0xFFFFFFD0]  }
0x2e: {  	v5 =	vld [tilespmem:s8+$0xFFFFFFE0]  }
0x2f: {  	v6 =	vld [tilespmem:s9+$0xFFFFFFE0]  }
0x30: {  	v7 =	vld [tilespmem:s8+$0xFFFFFFF0]  }
0x31: {  	v8 =	vld [tilespmem:s9+$0xFFFFFFF0]  }
0x32: {  	v9 =	vld [tilespmem:s8+$0x0]  }
0x33: {  	v10 =	vld [tilespmem:s9+$0x0];
	v2 =	vadd.f32 v2, v1  }
0x34: {  	v4 =	vadd.f32 v4, v3;
	v1 =	vld [tilespmem:s8+$0x10]  }
0x35: {  	v5 =	vadd.f32 v6, v5;
	v3 =	vld [tilespmem:s9+$0x10];
	[tilespmem:s8+$0x30] =	vst v2  }
0x36: {  	v6 =	vadd.f32 v8, v7;
	[tilespmem:s8+$0xFFFFFFD0] =	vst v4;
	v2 =	vld [tilespmem:s8+$0x20]  }
0x37: {  	[tilespmem:s8+$0xFFFFFFE0] =	vst v5;
	v5 =	vld [tilespmem:s9+$0x20]  }
0x38: {  	s10 =	simm.s32 $0x0;
	s11 =	simm.s32 $0x80C0;
	v4 =	vld [tilespmem:s8+$0xFFFFFFC0];
	[tilespmem:s8+$0xFFFFFFF0] =	vst v6;
	v6 =	vadd.f32 v10, v9  }
.LBB2_2:
0x39: {  	v7 =	vld [tilespmem:s11+$0x30];
	s9 =	sadd.s32 $0x80, s9  }
0x3a: {  	s10 =	sadd.s32 $0x8, s10;
	v8 =	vld [tilespmem:s9+$0x30];
	[tilespmem:s8+$0x0] =	vst v6;
	v1 =	vadd.f32 v3, v1  }
0x3b: {  	p0 =	slt.u32 s10, $0x3F8;
	v3 =	vld [tilespmem:s9+$0xFFFFFFC0]  }
0x3c: {  	v6 =	vld [tilespmem:s11+$0xFFFFFFD0];
	[tilespmem:s8+$0x10] =	vst v1;
	v1 =	vadd.f32 v5, v2  }
0x3d: {  	v2 =	vld [tilespmem:s9+$0xFFFFFFD0];
	v9 =	vadd.f32 v0, v4  }
0x3e: {  	v4 =	vld [tilespmem:s11+$0xFFFFFFE0];
	[tilespmem:s8+$0x20] =	vst v1  }
0x3f: {  	v1 =	vld [tilespmem:s9+$0xFFFFFFE0];
	v5 =	vadd.f32 v8, v7;
	[tilespmem:s8+$0xFFFFFFC0] =	vst v9;
	s8 =	smov.u32 s11  }
0x40: {  	v7 =	vld [tilespmem:s11+$0xFFFFFFF0];
	v0 =	vmov v3  }
0x41: {  	v8 =	vld [tilespmem:s9+$0xFFFFFFF0];
	[tilespmem:s11+$0x30] =	vst v5  }
0x42: {  	v2 =	vadd.f32 v2, v6;
	v6 =	vld [tilespmem:s11+$0x0]  }
0x43: {  	v9 =	vld [tilespmem:s9+$0x0]  }
.Ltmp0:
0x44: {  	[tilespmem:s11+$0xFFFFFFD0] =	vst v2;
	v2 =	vadd.f32 v1, v4;
	v1 =	vld [tilespmem:s11+$0x10];
	(pc) =	sbr.rel @p0 .LBB2_2-.Ltmp0, $4  }
0x45: {  	v3 =	vld [tilespmem:s9+$0x10]  }
0x46: {  	[tilespmem:s11+$0xFFFFFFE0] =	vst v2;
	v7 =	vadd.f32 v8, v7;
	v2 =	vld [tilespmem:s11+$0x20]  }
0x47: {  	v5 =	vld [tilespmem:s9+$0x20]  }
0x48: {  	s11 =	sadd.s32 $0x80, s11;
	v4 =	vld [tilespmem:s8+$0xFFFFFFC0];
	[tilespmem:s8+$0xFFFFFFF0] =	vst v7;
	v6 =	vadd.f32 v9, v6  }
0x49: {  	_ =	sdelay $0x1  }
0x4a: {  	v1 =	vadd.f32 v3, v1  }
0x4b: {  	[tilespmem:s8+$0x0] =	vst v6;
	v2 =	vadd.f32 v5, v2  }
0x4c: {  	[tilespmem:s8+$0x10] =	vst v1;
	v0 =	vadd.f32 v0, v4  }
0x4d: {  	[tilespmem:s8+$0x20] =	vst v2  }
0x4e: {  	[tilespmem:s8+$0xFFFFFFC0] =	vst v0  }
0x4f: {  	s8 =	rddreg [dreg:$0x9]  }
0x50: {  	[hbm4b:s8+s2] =	stream.linear.scatter [tilespmem:s21], [sflag:$0x7], $0x4000, $0x38;
	[tilespmem:$0x1C000] =	vst v63  }
0x51: {  	s11 =	rddreg [dreg:$0xa]  }
0x52: {  	[tilespmem:s28], [sflag:$0x6] =	stream.linear.gather [hbm4b:s11+s2], $0x4000, $0x38;
	[tilespmem:$0x1C000] =	vst v63  }
0x53: {  	_ =	swait.ge [sflag:s29], $0x4000  }
0x54: {  	[sflag:s29] =	ssyncset.done $0x0  }
0x55: {  	s8 =	simm.s32 $0xC040;
	[sflag:s29] =	ssyncadd.s32 $0xFFFFC000  }
0x56: {  	s9 =	simm.s32 $0x40;
	v1 =	vld [tilespmem:s8+$0x30]  }
0x57: {  	v2 =	vld [tilespmem:s9+$0x30]  }
0x58: {  	v0 =	vld [tilespmem:s9+$0xFFFFFFC0]  }
0x59: {  	v3 =	vld [tilespmem:s8+$0xFFFFFFD0]  }
0x5a: {  	v4 =	vld [tilespmem:s9+$0xFFFFFFD0]  }
0x5b: {  	v5 =	vld [tilespmem:s8+$0xFFFFFFE0]  }
0x5c: {  	v6 =	vld [tilespmem:s9+$0xFFFFFFE0]  }
0x5d: {  	v7 =	vld [tilespmem:s8+$0xFFFFFFF0]  }
0x5e: {  	v8 =	vld [tilespmem:s9+$0xFFFFFFF0]  }
0x5f: {  	v9 =	vld [tilespmem:s8+$0x0]  }
0x60: {  	v10 =	vld [tilespmem:s9+$0x0];
	v2 =	vadd.f32 v2, v1  }
0x61: {  	v4 =	vadd.f32 v4, v3;
	v1 =	vld [tilespmem:s8+$0x10]  }
0x62: {  	v5 =	vadd.f32 v6, v5;
	v3 =	vld [tilespmem:s9+$0x10];
	[tilespmem:s8+$0x30] =	vst v2  }
0x63: {  	v6 =	vadd.f32 v8, v7;
	[tilespmem:s8+$0xFFFFFFD0] =	vst v4;
	v2 =	vld [tilespmem:s8+$0x20]  }
0x64: {  	[tilespmem:s8+$0xFFFFFFE0] =	vst v5;
	v5 =	vld [tilespmem:s9+$0x20]  }
0x65: {  	s10 =	simm.s32 $0x0;
	s11 =	simm.s32 $0xC0C0;
	v4 =	vld [tilespmem:s8+$0xFFFFFFC0];
	[tilespmem:s8+$0xFFFFFFF0] =	vst v6;
	v6 =	vadd.f32 v10, v9  }
.LBB2_4:
0x66: {  	v7 =	vld [tilespmem:s11+$0x30];
	s9 =	sadd.s32 $0x80, s9  }
0x67: {  	s10 =	sadd.s32 $0x8, s10;
	v8 =	vld [tilespmem:s9+$0x30];
	[tilespmem:s8+$0x0] =	vst v6;
	v1 =	vadd.f32 v3, v1  }
0x68: {  	p0 =	slt.u32 s10, $0x3F8;
	v3 =	vld [tilespmem:s9+$0xFFFFFFC0]  }
0x69: {  	v6 =	vld [tilespmem:s11+$0xFFFFFFD0];
	[tilespmem:s8+$0x10] =	vst v1;
	v1 =	vadd.f32 v5, v2  }
0x6a: {  	v2 =	vld [tilespmem:s9+$0xFFFFFFD0];
	v9 =	vadd.f32 v0, v4  }
0x6b: {  	v4 =	vld [tilespmem:s11+$0xFFFFFFE0];
	[tilespmem:s8+$0x20] =	vst v1  }
0x6c: {  	v1 =	vld [tilespmem:s9+$0xFFFFFFE0];
	v5 =	vadd.f32 v8, v7;
	[tilespmem:s8+$0xFFFFFFC0] =	vst v9;
	s8 =	smov.u32 s11  }
0x6d: {  	v7 =	vld [tilespmem:s11+$0xFFFFFFF0];
	v0 =	vmov v3  }
0x6e: {  	v8 =	vld [tilespmem:s9+$0xFFFFFFF0];
	[tilespmem:s11+$0x30] =	vst v5  }
0x6f: {  	v2 =	vadd.f32 v2, v6;
	v6 =	vld [tilespmem:s11+$0x0]  }
0x70: {  	v9 =	vld [tilespmem:s9+$0x0]  }
.Ltmp1:
0x71: {  	[tilespmem:s11+$0xFFFFFFD0] =	vst v2;
	v2 =	vadd.f32 v1, v4;
	v1 =	vld [tilespmem:s11+$0x10];
	(pc) =	sbr.rel @p0 .LBB2_4-.Ltmp1, $4  }
0x72: {  	v3 =	vld [tilespmem:s9+$0x10]  }
0x73: {  	[tilespmem:s11+$0xFFFFFFE0] =	vst v2;
	v7 =	vadd.f32 v8, v7;
	v2 =	vld [tilespmem:s11+$0x20]  }
0x74: {  	v5 =	vld [tilespmem:s9+$0x20]  }
0x75: {  	s11 =	sadd.s32 $0x80, s11;
	v4 =	vld [tilespmem:s8+$0xFFFFFFC0];
	[tilespmem:s8+$0xFFFFFFF0] =	vst v7;
	v6 =	vadd.f32 v9, v6  }
0x76: {  	_ =	sdelay $0x1  }
0x77: {  	v1 =	vadd.f32 v3, v1  }
0x78: {  	[tilespmem:s8+$0x0] =	vst v6;
	v2 =	vadd.f32 v5, v2  }
0x79: {  	[tilespmem:s8+$0x10] =	vst v1;
	v0 =	vadd.f32 v0, v4  }
0x7a: {  	[tilespmem:s8+$0x20] =	vst v2  }
0x7b: {  	[tilespmem:s8+$0xFFFFFFC0] =	vst v0  }
0x7c: {  	s8 =	rddreg [dreg:$0xb]  }
0x7d: {  	[hbm4b:s8+s2] =	stream.linear.scatter [tilespmem:s22], [sflag:$0x8], $0x4000, $0x38;
	[tilespmem:$0x1C000] =	vst v63  }
0x7e: {  	_ =	swait.ge [sflag:s30], $0x4000  }
0x7f: {  	[sflag:s30] =	ssyncset.done $0x0  }
0x80: {  	s11 =	rddreg [dreg:$0xc];
	[sflag:s30] =	ssyncadd.s32 $0xFFFFC000  }
0x81: {  	[tilespmem:s21], [sflag:$0x2] =	stream.linear.gather [hbm4b:s11+s2], $0x4000, $0x38;
	[tilespmem:$0x1C000] =	vst v63  }
0x82: {  	_ =	swait.ge [sflag:s31], $0x4000  }
0x83: {  	[sflag:s31] =	ssyncset.done $0x0  }
0x84: {  	s8 =	simm.s32 $0x10040;
	[sflag:s31] =	ssyncadd.s32 $0xFFFFC000  }
0x85: {  	s9 =	simm.s32 $0x40;
	v1 =	vld [tilespmem:s8+$0x30]  }
0x86: {  	v2 =	vld [tilespmem:s9+$0x30]  }
0x87: {  	v0 =	vld [tilespmem:s9+$0xFFFFFFC0]  }
0x88: {  	v3 =	vld [tilespmem:s8+$0xFFFFFFD0]  }
0x89: {  	v4 =	vld [tilespmem:s9+$0xFFFFFFD0]  }
0x8a: {  	v5 =	vld [tilespmem:s8+$0xFFFFFFE0]  }
0x8b: {  	v6 =	vld [tilespmem:s9+$0xFFFFFFE0]  }
0x8c: {  	v7 =	vld [tilespmem:s8+$0xFFFFFFF0]  }
0x8d: {  	v8 =	vld [tilespmem:s9+$0xFFFFFFF0]  }
0x8e: {  	v9 =	vld [tilespmem:s8+$0x0]  }
0x8f: {  	v10 =	vld [tilespmem:s9+$0x0];
	v2 =	vadd.f32 v2, v1  }
0x90: {  	v4 =	vadd.f32 v4, v3;
	v1 =	vld [tilespmem:s8+$0x10]  }
0x91: {  	v5 =	vadd.f32 v6, v5;
	v3 =	vld [tilespmem:s9+$0x10];
	[tilespmem:s8+$0x30] =	vst v2  }
0x92: {  	v6 =	vadd.f32 v8, v7;
	[tilespmem:s8+$0xFFFFFFD0] =	vst v4;
	v2 =	vld [tilespmem:s8+$0x20]  }
0x93: {  	[tilespmem:s8+$0xFFFFFFE0] =	vst v5;
	v5 =	vld [tilespmem:s9+$0x20]  }
0x94: {  	s10 =	simm.s32 $0x0;
	s11 =	simm.s32 $0x100C0;
	v4 =	vld [tilespmem:s8+$0xFFFFFFC0];
	[tilespmem:s8+$0xFFFFFFF0] =	vst v6;
	v6 =	vadd.f32 v10, v9  }
.LBB2_6:
0x95: {  	v7 =	vld [tilespmem:s11+$0x30];
	s9 =	sadd.s32 $0x80, s9  }
0x96: {  	s10 =	sadd.s32 $0x8, s10;
	v8 =	vld [tilespmem:s9+$0x30];
	[tilespmem:s8+$0x0] =	vst v6;
	v1 =	vadd.f32 v3, v1  }
0x97: {  	p0 =	slt.u32 s10, $0x3F8;
	v3 =	vld [tilespmem:s9+$0xFFFFFFC0]  }
0x98: {  	v6 =	vld [tilespmem:s11+$0xFFFFFFD0];
	[tilespmem:s8+$0x10] =	vst v1;
	v1 =	vadd.f32 v5, v2  }
0x99: {  	v2 =	vld [tilespmem:s9+$0xFFFFFFD0];
	v9 =	vadd.f32 v0, v4  }
0x9a: {  	v4 =	vld [tilespmem:s11+$0xFFFFFFE0];
	[tilespmem:s8+$0x20] =	vst v1  }
0x9b: {  	v1 =	vld [tilespmem:s9+$0xFFFFFFE0];
	v5 =	vadd.f32 v8, v7;
	[tilespmem:s8+$0xFFFFFFC0] =	vst v9;
	s8 =	smov.u32 s11  }
0x9c: {  	v7 =	vld [tilespmem:s11+$0xFFFFFFF0];
	v0 =	vmov v3  }
0x9d: {  	v8 =	vld [tilespmem:s9+$0xFFFFFFF0];
	[tilespmem:s11+$0x30] =	vst v5  }
0x9e: {  	v2 =	vadd.f32 v2, v6;
	v6 =	vld [tilespmem:s11+$0x0]  }
0x9f: {  	v9 =	vld [tilespmem:s9+$0x0]  }
.Ltmp2:
0xa0: {  	[tilespmem:s11+$0xFFFFFFD0] =	vst v2;
	v2 =	vadd.f32 v1, v4;
	v1 =	vld [tilespmem:s11+$0x10];
	(pc) =	sbr.rel @p0 .LBB2_6-.Ltmp2, $4  }
0xa1: {  	v3 =	vld [tilespmem:s9+$0x10]  }
0xa2: {  	[tilespmem:s11+$0xFFFFFFE0] =	vst v2;
	v7 =	vadd.f32 v8, v7;
	v2 =	vld [tilespmem:s11+$0x20]  }
0xa3: {  	v5 =	vld [tilespmem:s9+$0x20]  }
0xa4: {  	s11 =	sadd.s32 $0x80, s11;
	v4 =	vld [tilespmem:s8+$0xFFFFFFC0];
	[tilespmem:s8+$0xFFFFFFF0] =	vst v7;
	v6 =	vadd.f32 v9, v6  }
0xa5: {  	_ =	sdelay $0x1  }
0xa6: {  	v1 =	vadd.f32 v3, v1  }
0xa7: {  	[tilespmem:s8+$0x0] =	vst v6;
	v2 =	vadd.f32 v5, v2  }
0xa8: {  	[tilespmem:s8+$0x10] =	vst v1;
	v0 =	vadd.f32 v0, v4  }
0xa9: {  	[tilespmem:s8+$0x20] =	vst v2  }
0xaa: {  	[tilespmem:s8+$0xFFFFFFC0] =	vst v0  }
0xab: {  	[hbm4b:s12+s2] =	stream.linear.scatter [tilespmem:s23], [sflag:$0x9], $0x4000, $0x38;
	[tilespmem:$0x1C000] =	vst v63  }
0xac: {  	_ =	swait.ge [sflag:s0], $0x4000  }
0xad: {  	[sflag:s0] =	ssyncset.done $0x0  }
0xae: {  	[sflag:s0] =	ssyncadd.s32 $0xFFFFC000  }
0xaf: {  	[tilespmem:s22], [sflag:$0x3] =	stream.linear.gather [hbm4b:s13+s2], $0x4000, $0x38;
	[tilespmem:$0x1C000] =	vst v63  }
0xb0: {  	_ =	swait.ge [sflag:s1], $0x4000  }
0xb1: {  	[sflag:s1] =	ssyncset.done $0x0  }
0xb2: {  	s8 =	simm.s32 $0x14040;
	[sflag:s1] =	ssyncadd.s32 $0xFFFFC000  }
0xb3: {  	s9 =	simm.s32 $0x40;
	v1 =	vld [tilespmem:s8+$0x30]  }
0xb4: {  	v2 =	vld [tilespmem:s9+$0x30]  }
0xb5: {  	v0 =	vld [tilespmem:s9+$0xFFFFFFC0]  }
0xb6: {  	v3 =	vld [tilespmem:s8+$0xFFFFFFD0]  }
0xb7: {  	v4 =	vld [tilespmem:s9+$0xFFFFFFD0]  }
0xb8: {  	v5 =	vld [tilespmem:s8+$0xFFFFFFE0]  }
0xb9: {  	v6 =	vld [tilespmem:s9+$0xFFFFFFE0]  }
0xba: {  	v7 =	vld [tilespmem:s8+$0xFFFFFFF0]  }
0xbb: {  	v8 =	vld [tilespmem:s9+$0xFFFFFFF0]  }
0xbc: {  	v9 =	vld [tilespmem:s8+$0x0]  }
0xbd: {  	v10 =	vld [tilespmem:s9+$0x0];
	v2 =	vadd.f32 v2, v1  }
0xbe: {  	v4 =	vadd.f32 v4, v3;
	v1 =	vld [tilespmem:s8+$0x10]  }
0xbf: {  	v5 =	vadd.f32 v6, v5;
	v3 =	vld [tilespmem:s9+$0x10];
	[tilespmem:s8+$0x30] =	vst v2  }
0xc0: {  	v6 =	vadd.f32 v8, v7;
	[tilespmem:s8+$0xFFFFFFD0] =	vst v4;
	v2 =	vld [tilespmem:s8+$0x20]  }
0xc1: {  	[tilespmem:s8+$0xFFFFFFE0] =	vst v5;
	v5 =	vld [tilespmem:s9+$0x20]  }
0xc2: {  	s10 =	simm.s32 $0x0;
	s11 =	simm.s32 $0x140C0;
	v4 =	vld [tilespmem:s8+$0xFFFFFFC0];
	[tilespmem:s8+$0xFFFFFFF0] =	vst v6;
	v6 =	vadd.f32 v10, v9  }
.LBB2_8:
0xc3: {  	v7 =	vld [tilespmem:s11+$0x30];
	s9 =	sadd.s32 $0x80, s9  }
0xc4: {  	s10 =	sadd.s32 $0x8, s10;
	v8 =	vld [tilespmem:s9+$0x30];
	[tilespmem:s8+$0x0] =	vst v6;
	v1 =	vadd.f32 v3, v1  }
0xc5: {  	p0 =	slt.u32 s10, $0x3F8;
	v3 =	vld [tilespmem:s9+$0xFFFFFFC0]  }
0xc6: {  	v6 =	vld [tilespmem:s11+$0xFFFFFFD0];
	[tilespmem:s8+$0x10] =	vst v1;
	v1 =	vadd.f32 v5, v2  }
0xc7: {  	v2 =	vld [tilespmem:s9+$0xFFFFFFD0];
	v9 =	vadd.f32 v0, v4  }
0xc8: {  	v4 =	vld [tilespmem:s11+$0xFFFFFFE0];
	[tilespmem:s8+$0x20] =	vst v1  }
0xc9: {  	v1 =	vld [tilespmem:s9+$0xFFFFFFE0];
	v5 =	vadd.f32 v8, v7;
	[tilespmem:s8+$0xFFFFFFC0] =	vst v9;
	s8 =	smov.u32 s11  }
0xca: {  	v7 =	vld [tilespmem:s11+$0xFFFFFFF0];
	v0 =	vmov v3  }
0xcb: {  	v8 =	vld [tilespmem:s9+$0xFFFFFFF0];
	[tilespmem:s11+$0x30] =	vst v5  }
0xcc: {  	v2 =	vadd.f32 v2, v6;
	v6 =	vld [tilespmem:s11+$0x0]  }
0xcd: {  	v9 =	vld [tilespmem:s9+$0x0]  }
.Ltmp3:
0xce: {  	[tilespmem:s11+$0xFFFFFFD0] =	vst v2;
	v2 =	vadd.f32 v1, v4;
	v1 =	vld [tilespmem:s11+$0x10];
	(pc) =	sbr.rel @p0 .LBB2_8-.Ltmp3, $4  }
0xcf: {  	v3 =	vld [tilespmem:s9+$0x10]  }
0xd0: {  	[tilespmem:s11+$0xFFFFFFE0] =	vst v2;
	v7 =	vadd.f32 v8, v7;
	v2 =	vld [tilespmem:s11+$0x20]  }
0xd1: {  	v5 =	vld [tilespmem:s9+$0x20]  }
0xd2: {  	s11 =	sadd.s32 $0x80, s11;
	v4 =	vld [tilespmem:s8+$0xFFFFFFC0];
	[tilespmem:s8+$0xFFFFFFF0] =	vst v7;
	v6 =	vadd.f32 v9, v6  }
0xd3: {  	_ =	sdelay $0x1  }
0xd4: {  	v1 =	vadd.f32 v3, v1  }
0xd5: {  	[tilespmem:s8+$0x0] =	vst v6;
	v2 =	vadd.f32 v5, v2  }
0xd6: {  	[tilespmem:s8+$0x10] =	vst v1;
	v0 =	vadd.f32 v0, v4  }
0xd7: {  	[tilespmem:s8+$0x20] =	vst v2  }
0xd8: {  	s11 =	simm.s32 $0x0;
	[tilespmem:s8+$0xFFFFFFC0] =	vst v0  }
0xd9: {  	[hbm4b:s14+s11] =	stream.linear.scatter [tilespmem:s24], [sflag:$0xA], $0x4000, $0x38;
	[tilespmem:$0x1C000] =	vst v63  }
0xda: {  	_ =	swait.ge [sflag:s3], $0x4000  }
0xdb: {  	[sflag:s3] =	ssyncset.done $0x0  }
0xdc: {  	[sflag:s3] =	ssyncadd.s32 $0xFFFFC000  }
0xdd: {  	[tilespmem:s23], [sflag:$0x4] =	stream.linear.gather [hbm4b:s15+s11], $0x4000, $0x38;
	[tilespmem:$0x1C000] =	vst v63  }
0xde: {  	_ =	swait.ge [sflag:s4], $0x4000  }
0xdf: {  	[sflag:s4] =	ssyncset.done $0x0  }
0xe0: {  	s8 =	simm.s32 $0x0;
	[sflag:s4] =	ssyncadd.s32 $0xFFFFC000  }
0xe1: {  	v0 =	vld [tilespmem:s8+$0x18070]  }
0xe2: {  	v1 =	vld [tilespmem:s8+$0x4070]  }
0xe3: {  	v2 =	vld [tilespmem:s8+$0x18000]  }
0xe4: {  	v3 =	vld [tilespmem:s8+$0x4000]  }
0xe5: {  	v4 =	vld [tilespmem:s8+$0x18010]  }
0xe6: {  	v5 =	vld [tilespmem:s8+$0x4010]  }
0xe7: {  	v6 =	vld [tilespmem:s8+$0x18020]  }
0xe8: {  	v7 =	vld [tilespmem:s8+$0x4020]  }
0xe9: {  	v8 =	vld [tilespmem:s8+$0x18030]  }
0xea: {  	v9 =	vld [tilespmem:s8+$0x4030];
	v1 =	vadd.f32 v1, v0  }
0xeb: {  	v3 =	vadd.f32 v3, v2;
	v0 =	vld [tilespmem:s8+$0x18040]  }
0xec: {  	v4 =	vadd.f32 v5, v4;
	v2 =	vld [tilespmem:s8+$0x4040];
	[tilespmem:s8+$0x18070] =	vst v1  }
0xed: {  	v5 =	vadd.f32 v7, v6;
	[tilespmem:s8+$0x18000] =	vst v3;
	v1 =	vld [tilespmem:s8+$0x18050]  }
0xee: {  	[tilespmem:s8+$0x18010] =	vst v4;
	v3 =	vld [tilespmem:s8+$0x4050]  }
0xef: {  	s9 =	simm.s32 $0x0;
	s10 =	simm.s32 $0x200;
	[tilespmem:s8+$0x18020] =	vst v5;
	v5 =	vadd.f32 v9, v8;
	v4 =	vld [tilespmem:s8+$0x18060]  }
.LBB2_10:
0xf0: {  	s11 =	sshra.s32 s10, $0x2;
	v6 =	vld [tilespmem:s8+$0x4060]  }
0xf1: {  	s9 =	sadd.s32 $0x8, s9;
	v7 =	vld [tilespmem:s11+$0x18070];
	[tilespmem:s8+$0x18030] =	vst v5;
	v0 =	vadd.f32 v2, v0  }
0xf2: {  	p0 =	slt.u32 s9, $0x3F8;
	v2 =	vld [tilespmem:s11+$0x4070]  }
0xf3: {  	v5 =	vld [tilespmem:s11+$0x18000];
	[tilespmem:s8+$0x18040] =	vst v0;
	v0 =	vadd.f32 v3, v1  }
0xf4: {  	v1 =	vld [tilespmem:s11+$0x4000]  }
0xf5: {  	v3 =	vld [tilespmem:s11+$0x18010];
	[tilespmem:s8+$0x18050] =	vst v0;
	v0 =	vadd.f32 v6, v4  }
0xf6: {  	v4 =	vld [tilespmem:s11+$0x4010]  }
0xf7: {  	v6 =	vld [tilespmem:s11+$0x18020];
	v2 =	vadd.f32 v2, v7;
	[tilespmem:s8+$0x18060] =	vst v0;
	s8 =	smov.u32 s11  }
0xf8: {  	v7 =	vld [tilespmem:s8+$0x4020]  }
0xf9: {  	v0 =	vadd.f32 v1, v5;
	v5 =	vld [tilespmem:s8+$0x18030];
	[tilespmem:s8+$0x18070] =	vst v2  }
0xfa: {  	v8 =	vld [tilespmem:s8+$0x4030]  }
.Ltmp4:
0xfb: {  	[tilespmem:s8+$0x18000] =	vst v0;
	v1 =	vadd.f32 v4, v3;
	v0 =	vld [tilespmem:s8+$0x18040];
	(pc) =	sbr.rel @p0 .LBB2_10-.Ltmp4, $4  }
0xfc: {  	v2 =	vld [tilespmem:s8+$0x4040]  }
0xfd: {  	[tilespmem:s8+$0x18010] =	vst v1;
	v4 =	vadd.f32 v7, v6;
	v1 =	vld [tilespmem:s8+$0x18050]  }
0xfe: {  	v3 =	vld [tilespmem:s8+$0x4050]  }
0xff: {  	s10 =	sadd.s32 $0x200, s10;
	[tilespmem:s8+$0x18020] =	vst v4;
	v5 =	vadd.f32 v8, v5;
	v4 =	vld [tilespmem:s8+$0x18060]  }
0x100: {  	v6 =	vld [tilespmem:s8+$0x4060];
	_ =	sdelay $0x2  }
0x101: {  	v0 =	vadd.f32 v2, v0  }
0x102: {  	[tilespmem:s8+$0x18030] =	vst v5;
	v1 =	vadd.f32 v3, v1  }
0x103: {  	[tilespmem:s8+$0x18040] =	vst v0;
	v0 =	vadd.f32 v6, v4  }
0x104: {  	[tilespmem:s8+$0x18050] =	vst v1  }
0x105: {  	s11 =	simm.s32 $0x0;
	[tilespmem:s8+$0x18060] =	vst v0  }
0x106: {  	[hbm4b:s16+s11] =	stream.linear.scatter [tilespmem:s28], [sflag:$0xB], $0x4000, $0x38;
	[tilespmem:$0x1C000] =	vst v63  }
0x107: {  	_ =	swait.ge [sflag:s26], $0x4000  }
0x108: {  	[sflag:s26] =	ssyncset.done $0x0  }
0x109: {  	s8 =	simm.s32 $0x0;
	[sflag:s26] =	ssyncadd.s32 $0xFFFFC000  }
0x10a: {  	v0 =	vld [tilespmem:s8+$0x8070]  }
0x10b: {  	v1 =	vld [tilespmem:s8+$0x4070]  }
0x10c: {  	v2 =	vld [tilespmem:s8+$0x8000]  }
0x10d: {  	v3 =	vld [tilespmem:s8+$0x4000]  }
0x10e: {  	v4 =	vld [tilespmem:s8+$0x8010]  }
0x10f: {  	v5 =	vld [tilespmem:s8+$0x4010]  }
0x110: {  	v6 =	vld [tilespmem:s8+$0x8020]  }
0x111: {  	v7 =	vld [tilespmem:s8+$0x4020]  }
0x112: {  	v8 =	vld [tilespmem:s8+$0x8030]  }
0x113: {  	v9 =	vld [tilespmem:s8+$0x4030];
	v1 =	vadd.f32 v1, v0  }
0x114: {  	v3 =	vadd.f32 v3, v2;
	v0 =	vld [tilespmem:s8+$0x8040]  }
0x115: {  	v4 =	vadd.f32 v5, v4;
	v2 =	vld [tilespmem:s8+$0x4040];
	[tilespmem:s8+$0x8070] =	vst v1  }
0x116: {  	v5 =	vadd.f32 v7, v6;
	[tilespmem:s8+$0x8000] =	vst v3;
	v1 =	vld [tilespmem:s8+$0x8050]  }
0x117: {  	[tilespmem:s8+$0x8010] =	vst v4;
	v3 =	vld [tilespmem:s8+$0x4050]  }
0x118: {  	s9 =	simm.s32 $0x0;
	s10 =	simm.s32 $0x200;
	[tilespmem:s8+$0x8020] =	vst v5;
	v5 =	vadd.f32 v9, v8;
	v4 =	vld [tilespmem:s8+$0x8060]  }
.LBB2_12:
0x119: {  	s11 =	sshra.s32 s10, $0x2;
	v6 =	vld [tilespmem:s8+$0x4060]  }
0x11a: {  	s9 =	sadd.s32 $0x8, s9;
	v7 =	vld [tilespmem:s11+$0x8070];
	[tilespmem:s8+$0x8030] =	vst v5;
	v0 =	vadd.f32 v2, v0  }
0x11b: {  	p0 =	slt.u32 s9, $0x3F8;
	v2 =	vld [tilespmem:s11+$0x4070]  }
0x11c: {  	v5 =	vld [tilespmem:s11+$0x8000];
	[tilespmem:s8+$0x8040] =	vst v0;
	v0 =	vadd.f32 v3, v1  }
0x11d: {  	v1 =	vld [tilespmem:s11+$0x4000]  }
0x11e: {  	v3 =	vld [tilespmem:s11+$0x8010];
	[tilespmem:s8+$0x8050] =	vst v0;
	v0 =	vadd.f32 v6, v4  }
0x11f: {  	v4 =	vld [tilespmem:s11+$0x4010]  }
0x120: {  	v6 =	vld [tilespmem:s11+$0x8020];
	v2 =	vadd.f32 v2, v7;
	[tilespmem:s8+$0x8060] =	vst v0;
	s8 =	smov.u32 s11  }
0x121: {  	v7 =	vld [tilespmem:s8+$0x4020]  }
0x122: {  	v0 =	vadd.f32 v1, v5;
	v5 =	vld [tilespmem:s8+$0x8030];
	[tilespmem:s8+$0x8070] =	vst v2  }
0x123: {  	v8 =	vld [tilespmem:s8+$0x4030]  }
.Ltmp5:
0x124: {  	[tilespmem:s8+$0x8000] =	vst v0;
	v1 =	vadd.f32 v4, v3;
	v0 =	vld [tilespmem:s8+$0x8040];
	(pc) =	sbr.rel @p0 .LBB2_12-.Ltmp5, $4  }
0x125: {  	v2 =	vld [tilespmem:s8+$0x4040]  }
0x126: {  	[tilespmem:s8+$0x8010] =	vst v1;
	v4 =	vadd.f32 v7, v6;
	v1 =	vld [tilespmem:s8+$0x8050]  }
0x127: {  	v3 =	vld [tilespmem:s8+$0x4050]  }
0x128: {  	s10 =	sadd.s32 $0x200, s10;
	[tilespmem:s8+$0x8020] =	vst v4;
	v5 =	vadd.f32 v8, v5;
	v4 =	vld [tilespmem:s8+$0x8060]  }
0x129: {  	v6 =	vld [tilespmem:s8+$0x4060];
	_ =	sdelay $0x2  }
0x12a: {  	v0 =	vadd.f32 v2, v0  }
0x12b: {  	[tilespmem:s8+$0x8030] =	vst v5;
	v1 =	vadd.f32 v3, v1  }
0x12c: {  	[tilespmem:s8+$0x8040] =	vst v0;
	v0 =	vadd.f32 v6, v4  }
0x12d: {  	[tilespmem:s8+$0x8050] =	vst v1  }
0x12e: {  	s11 =	simm.s32 $0x0;
	[tilespmem:s8+$0x8060] =	vst v0  }
0x12f: {  	[hbm4b:s17+s11] =	stream.linear.scatter [tilespmem:s21], [sflag:$0x7], $0x4000, $0x38;
	[tilespmem:$0x1C000] =	vst v63  }
0x130: {  	_ =	swait.ge [sflag:s29], $0x4000  }
0x131: {  	[sflag:s29] =	ssyncset.done $0x0  }
0x132: {  	s8 =	simm.s32 $0x0;
	[sflag:s29] =	ssyncadd.s32 $0xFFFFC000  }
0x133: {  	v0 =	vld [tilespmem:s8+$0xC070]  }
0x134: {  	v1 =	vld [tilespmem:s8+$0x4070]  }
0x135: {  	v2 =	vld [tilespmem:s8+$0xC000]  }
0x136: {  	v3 =	vld [tilespmem:s8+$0x4000]  }
0x137: {  	v4 =	vld [tilespmem:s8+$0xC010]  }
0x138: {  	v5 =	vld [tilespmem:s8+$0x4010]  }
0x139: {  	v6 =	vld [tilespmem:s8+$0xC020]  }
0x13a: {  	v7 =	vld [tilespmem:s8+$0x4020]  }
0x13b: {  	v8 =	vld [tilespmem:s8+$0xC030]  }
0x13c: {  	v9 =	vld [tilespmem:s8+$0x4030];
	v1 =	vadd.f32 v1, v0  }
0x13d: {  	v3 =	vadd.f32 v3, v2;
	v0 =	vld [tilespmem:s8+$0xC040]  }
0x13e: {  	v4 =	vadd.f32 v5, v4;
	v2 =	vld [tilespmem:s8+$0x4040];
	[tilespmem:s8+$0xC070] =	vst v1  }
0x13f: {  	v5 =	vadd.f32 v7, v6;
	[tilespmem:s8+$0xC000] =	vst v3;
	v1 =	vld [tilespmem:s8+$0xC050]  }
0x140: {  	[tilespmem:s8+$0xC010] =	vst v4;
	v3 =	vld [tilespmem:s8+$0x4050]  }
0x141: {  	s9 =	simm.s32 $0x0;
	s10 =	simm.s32 $0x200;
	[tilespmem:s8+$0xC020] =	vst v5;
	v5 =	vadd.f32 v9, v8;
	v4 =	vld [tilespmem:s8+$0xC060]  }
.LBB2_14:
0x142: {  	s11 =	sshra.s32 s10, $0x2;
	v6 =	vld [tilespmem:s8+$0x4060]  }
0x143: {  	s9 =	sadd.s32 $0x8, s9;
	v7 =	vld [tilespmem:s11+$0xC070];
	[tilespmem:s8+$0xC030] =	vst v5;
	v0 =	vadd.f32 v2, v0  }
0x144: {  	p0 =	slt.u32 s9, $0x3F8;
	v2 =	vld [tilespmem:s11+$0x4070]  }
0x145: {  	v5 =	vld [tilespmem:s11+$0xC000];
	[tilespmem:s8+$0xC040] =	vst v0;
	v0 =	vadd.f32 v3, v1  }
0x146: {  	v1 =	vld [tilespmem:s11+$0x4000]  }
0x147: {  	v3 =	vld [tilespmem:s11+$0xC010];
	[tilespmem:s8+$0xC050] =	vst v0;
	v0 =	vadd.f32 v6, v4  }
0x148: {  	v4 =	vld [tilespmem:s11+$0x4010]  }
0x149: {  	v6 =	vld [tilespmem:s11+$0xC020];
	v2 =	vadd.f32 v2, v7;
	[tilespmem:s8+$0xC060] =	vst v0;
	s8 =	smov.u32 s11  }
0x14a: {  	v7 =	vld [tilespmem:s8+$0x4020]  }
0x14b: {  	v0 =	vadd.f32 v1, v5;
	v5 =	vld [tilespmem:s8+$0xC030];
	[tilespmem:s8+$0xC070] =	vst v2  }
0x14c: {  	v8 =	vld [tilespmem:s8+$0x4030]  }
.Ltmp6:
0x14d: {  	[tilespmem:s8+$0xC000] =	vst v0;
	v1 =	vadd.f32 v4, v3;
	v0 =	vld [tilespmem:s8+$0xC040];
	(pc) =	sbr.rel @p0 .LBB2_14-.Ltmp6, $4  }
0x14e: {  	v2 =	vld [tilespmem:s8+$0x4040]  }
0x14f: {  	[tilespmem:s8+$0xC010] =	vst v1;
	v4 =	vadd.f32 v7, v6;
	v1 =	vld [tilespmem:s8+$0xC050]  }
0x150: {  	v3 =	vld [tilespmem:s8+$0x4050]  }
0x151: {  	s10 =	sadd.s32 $0x200, s10;
	[tilespmem:s8+$0xC020] =	vst v4;
	v5 =	vadd.f32 v8, v5;
	v4 =	vld [tilespmem:s8+$0xC060]  }
0x152: {  	v6 =	vld [tilespmem:s8+$0x4060];
	_ =	sdelay $0x2  }
0x153: {  	v0 =	vadd.f32 v2, v0  }
0x154: {  	[tilespmem:s8+$0xC030] =	vst v5;
	v1 =	vadd.f32 v3, v1  }
0x155: {  	[tilespmem:s8+$0xC040] =	vst v0;
	v0 =	vadd.f32 v6, v4  }
0x156: {  	[tilespmem:s8+$0xC050] =	vst v1  }
0x157: {  	s11 =	simm.s32 $0x0;
	[tilespmem:s8+$0xC060] =	vst v0  }
0x158: {  	[hbm4b:s18+s11] =	stream.linear.scatter [tilespmem:s22], [sflag:$0x8], $0x4000, $0x38;
	[tilespmem:$0x1C000] =	vst v63  }
0x159: {  	_ =	swait.ge [sflag:s31], $0x4000  }
0x15a: {  	[sflag:s31] =	ssyncset.done $0x0  }
0x15b: {  	s8 =	simm.s32 $0x0;
	[sflag:s31] =	ssyncadd.s32 $0xFFFFC000  }
0x15c: {  	v0 =	vld [tilespmem:s8+$0x10070]  }
0x15d: {  	v1 =	vld [tilespmem:s8+$0x4070]  }
0x15e: {  	v2 =	vld [tilespmem:s8+$0x10000]  }
0x15f: {  	v3 =	vld [tilespmem:s8+$0x4000]  }
0x160: {  	v4 =	vld [tilespmem:s8+$0x10010]  }
0x161: {  	v5 =	vld [tilespmem:s8+$0x4010]  }
0x162: {  	v6 =	vld [tilespmem:s8+$0x10020]  }
0x163: {  	v7 =	vld [tilespmem:s8+$0x4020]  }
0x164: {  	v8 =	vld [tilespmem:s8+$0x10030]  }
0x165: {  	v9 =	vld [tilespmem:s8+$0x4030];
	v1 =	vadd.f32 v1, v0  }
0x166: {  	v3 =	vadd.f32 v3, v2;
	v0 =	vld [tilespmem:s8+$0x10040]  }
0x167: {  	v4 =	vadd.f32 v5, v4;
	v2 =	vld [tilespmem:s8+$0x4040];
	[tilespmem:s8+$0x10070] =	vst v1  }
0x168: {  	v5 =	vadd.f32 v7, v6;
	[tilespmem:s8+$0x10000] =	vst v3;
	v1 =	vld [tilespmem:s8+$0x10050]  }
0x169: {  	[tilespmem:s8+$0x10010] =	vst v4;
	v3 =	vld [tilespmem:s8+$0x4050]  }
0x16a: {  	s9 =	simm.s32 $0x0;
	s10 =	simm.s32 $0x200;
	[tilespmem:s8+$0x10020] =	vst v5;
	v5 =	vadd.f32 v9, v8;
	v4 =	vld [tilespmem:s8+$0x10060]  }
.LBB2_16:
0x16b: {  	s11 =	sshra.s32 s10, $0x2;
	v6 =	vld [tilespmem:s8+$0x4060]  }
0x16c: {  	s9 =	sadd.s32 $0x8, s9;
	v7 =	vld [tilespmem:s11+$0x10070];
	[tilespmem:s8+$0x10030] =	vst v5;
	v0 =	vadd.f32 v2, v0  }
0x16d: {  	p0 =	slt.u32 s9, $0x3F8;
	v2 =	vld [tilespmem:s11+$0x4070]  }
0x16e: {  	v5 =	vld [tilespmem:s11+$0x10000];
	[tilespmem:s8+$0x10040] =	vst v0;
	v0 =	vadd.f32 v3, v1  }
0x16f: {  	v1 =	vld [tilespmem:s11+$0x4000]  }
0x170: {  	v3 =	vld [tilespmem:s11+$0x10010];
	[tilespmem:s8+$0x10050] =	vst v0;
	v0 =	vadd.f32 v6, v4  }
0x171: {  	v4 =	vld [tilespmem:s11+$0x4010]  }
0x172: {  	v6 =	vld [tilespmem:s11+$0x10020];
	v2 =	vadd.f32 v2, v7;
	[tilespmem:s8+$0x10060] =	vst v0;
	s8 =	smov.u32 s11  }
0x173: {  	v7 =	vld [tilespmem:s8+$0x4020]  }
0x174: {  	v0 =	vadd.f32 v1, v5;
	v5 =	vld [tilespmem:s8+$0x10030];
	[tilespmem:s8+$0x10070] =	vst v2  }
0x175: {  	v8 =	vld [tilespmem:s8+$0x4030]  }
.Ltmp7:
0x176: {  	[tilespmem:s8+$0x10000] =	vst v0;
	v1 =	vadd.f32 v4, v3;
	v0 =	vld [tilespmem:s8+$0x10040];
	(pc) =	sbr.rel @p0 .LBB2_16-.Ltmp7, $4  }
0x177: {  	v2 =	vld [tilespmem:s8+$0x4040]  }
0x178: {  	[tilespmem:s8+$0x10010] =	vst v1;
	v4 =	vadd.f32 v7, v6;
	v1 =	vld [tilespmem:s8+$0x10050]  }
0x179: {  	v3 =	vld [tilespmem:s8+$0x4050]  }
0x17a: {  	s10 =	sadd.s32 $0x200, s10;
	[tilespmem:s8+$0x10020] =	vst v4;
	v5 =	vadd.f32 v8, v5;
	v4 =	vld [tilespmem:s8+$0x10060]  }
0x17b: {  	v6 =	vld [tilespmem:s8+$0x4060];
	_ =	sdelay $0x2  }
0x17c: {  	v0 =	vadd.f32 v2, v0  }
0x17d: {  	[tilespmem:s8+$0x10030] =	vst v5;
	v1 =	vadd.f32 v3, v1  }
0x17e: {  	[tilespmem:s8+$0x10040] =	vst v0;
	v63 =	vadd.f32 v6, v4  }
0x17f: {  	[tilespmem:s8+$0x10050] =	vst v1  }
0x180: {  	[tilespmem:s8+$0x10060] =	vst v63  }
0x181: {  	[hbm4b:s19+s2] =	stream.linear.scatter [tilespmem:s23], [sflag:$0x9], $0x4000, $0x38;
	[tilespmem:$0x1C000] =	vst v63  }
0x182: {  	_ =	swait.ge [sflag:s5], $0x4000  }
0x183: {  	[sflag:s5] =	ssyncset.done $0x0  }
0x184: {  	[sflag:s5] =	ssyncadd.s32 $0xFFFFC000  }
0x185: {  	_ =	swait.ge [sflag:s6], $0x4000  }
0x186: {  	[sflag:s6] =	ssyncset.done $0x0  }
0x187: {  	[sflag:s6] =	ssyncadd.s32 $0xFFFFC000  }
0x188: {  	_ =	swait.ge [sflag:s30], $0x4000  }
0x189: {  	[sflag:s30] =	ssyncset.done $0x0  }
0x18a: {  	s7 =	sadd.s32 $0x1, s7;
	[sflag:s30] =	ssyncadd.s32 $0xFFFFC000  }
0x18b: {  	p0 =	sne.s32 s7, s20;
	_ =	swait.ge [sflag:s0], $0x4000  }
.Ltmp8:
0x18c: {  	[sflag:s0] =	ssyncset.done $0x0;
	(pc) =	sbr.rel @p0 .LBB2_1-.Ltmp8, $4  }
0x18d: {  	[sflag:s0] =	ssyncadd.s32 $0xFFFFC000  }
0x18e: {  	_ =	swait.ge [sflag:s3], $0x4000  }
0x18f: {  	[sflag:s3] =	ssyncset.done $0x0  }
0x190: {  	[sflag:s3] =	ssyncadd.s32 $0xFFFFC000  }
0x191: {  	_ =	sfence.sel $0x180000  }
0x192: {  	[bflag:$0x0] =	sbarrier.arrive $0xFFFF  }
0x193: {  	_ =	strace $0x90000047  }
0x194: {  	s0 =	stileid.u32;
	[bflag:$0x2] =	sbarrier.arrive $0xFFFF  }
0x195: {  	p0 =	sne.s32 s0, $0x0;
	s0 =	rddreg [dreg:$0x3]  }
0x196: {  	s0 =	sadd.s32 @!p0 $0x100000, s0  }
0x197: {  	[sflag:s0] =	ssyncadd.tile.s32 @!p0 $0x1;
	_ =	shalt  }
.Lfunc_end2:
_tile_overlayer_lowered:
.L_overlay_start_2:
0x198: {  	(tag) =	ssettag $0x2  }
0x199: {  	s0 =	rddreg [dreg:$0x0];
	s2 =	stileid.u32  }
0x19a: {  	s1 =	rddreg [dreg:$0x1];
	p0 =	sne.s32 s2, $0x0  }
0x19b: {  	s3 =	rddreg [dreg:$0x2];
	[bflag:$0x3] =	sbarrier.arrive $0xFFFF;
	s2 =	simm.s32 @!p0 $0x1C0C  }
0x19c: {  	[timem:s3], [sflag:s2] =	dma.local @!p0 [hbm:s0], s1  }
0x19d: {  	s0 =	simm.s32 @!p0 $0xC  }
0x19e: {  	_ =	swait.ge @!p0 [sflag:s0], s1  }
0x19f: {  	s1 =	ssub.s32 @!p0 $0x0, s1;
	[sflag:s0] =	ssyncset.done @!p0 $0x0  }
0x1a0: {  	[sflag:s0] =	ssyncadd.s32 @!p0 s1  }
0x1a1: {  	[bflag:$0x3] =	sbarrier.arrive $0xFFFF  }
0x1a2: {  	_ =	shalt  }

</sc_bundles>
